<compile_context>
chip_gen: v7x
topology: tpu7x:2x2x1
jax: 0.10.2.dev20260603
libtpu: 0.0.44.dev20260713+nightly
codegen_flags: <defaults>
</compile_context>

<pallas_src>
import functools

import jax
import jax.numpy as jnp
from jax import lax
from jax.experimental import pallas as pl
from jax.experimental.pallas import tpu as pltpu
from jax.experimental.pallas import tpu_sc as plsc

B, NT, NS = 16, 4096, 1024
CT, CS = 256, 512
C1, C2 = 256, 256
TB = 1024
TBC = 2048

NW = 32
ROWS = B * NT
RPW = ROWS // NW
CH = 32
NCHUNK = RPW // CH


def _g_kernel(fs_ref, w1a_ref, g_ref):
    g_ref[0] = jnp.dot(fs_ref[0], w1a_ref[...],
                       preferred_element_type=jnp.float32)


def _nn_kernel(xt_ref, xst_ref, idx_ref, w_ref):
    xt = xt_ref[0]
    xst = xst_ref[0]
    diff0 = xt[:, 0:1] - xst[0:1, :]
    d2 = diff0 * diff0
    diff1 = xt[:, 1:2] - xst[1:2, :]
    d2 = d2 + diff1 * diff1
    diff2 = xt[:, 2:3] - xst[2:3, :]
    d2 = d2 + diff2 * diff2

    d2w = d2
    ohs = []
    recips = []
    for k in range(3):
        m = jnp.min(d2w, axis=1, keepdims=True)
        oh = d2w == m
        if k < 2:
            d2w = jnp.where(oh, jnp.float32(jnp.inf), d2w)
        recips.append(jax.lax.rsqrt(jnp.maximum(m, 1e-20)))
        ohs.append(oh)
    r0, r1, r2 = recips
    norm = r0 + r1 + r2
    rn = 1.0 / norm
    ws = (r0 + r1 + r2) * rn + 1e-6
    c = rn / ws

    b = pl.program_id(0)
    lane = lax.broadcasted_iota(jnp.int32, (TB, NS), 1)
    for k, (oh, r) in enumerate(zip(ohs, recips)):
        idx_i = jnp.max(jnp.where(oh, lane, 0), axis=1, keepdims=True)
        idx_ref[0, :, k:k + 1] = idx_i + b * NS
        w_ref[0, :, k * 16:(k + 1) * 16] = jnp.broadcast_to(r * c, (TB, 16))


def _gather_kernel(g_hbm, idx_hbm, wts_hbm, out_hbm,
                   idx_v, w_v, rows_v, out_v, sem):
    wid = lax.axis_index("s") * 2 + lax.axis_index("c")

    def chunk_body(cidx, carry):
        base = wid * RPW + cidx * CH
        pltpu.sync_copy(idx_hbm.at[pl.ds(base * 3, CH * 3)], idx_v)
        pltpu.sync_copy(wts_hbm.at[pl.ds(base * 3, CH * 3)], w_v)
        pltpu.async_copy(g_hbm.at[idx_v], rows_v, sem).wait()

        def row_body(i, c2):
            w0 = w_v[3 * i, :]
            w1 = w_v[3 * i + 1, :]
            w2 = w_v[3 * i + 2, :]
            for j in range(C1 // 16):
                sl = pl.ds(j * 16, 16)
                a = rows_v[3 * i, sl] * w0
                a = a + rows_v[3 * i + 1, sl] * w1
                a = a + rows_v[3 * i + 2, sl] * w2
                out_v[i, sl] = a
            return c2

        lax.fori_loop(0, CH, row_body, 0)
        pltpu.sync_copy(out_v, out_hbm.at[pl.ds(base, CH)])
        return carry

    lax.fori_loop(0, NCHUNK, chunk_body, 0)


def _mlp_kernel(interp_ref, ft_ref, w1b_ref, w2_ref, out_ref):
    h = interp_ref[...] + jnp.dot(ft_ref[...], w1b_ref[...],
                                  preferred_element_type=jnp.float32)
    h = jnp.maximum(h, 0.0)
    out = jnp.dot(h, w2_ref[...], preferred_element_type=jnp.float32)
    out_ref[...] = jnp.maximum(out, 0.0)


@jax.jit
def kernel(xyz_target, xyz_source, feats_target, feats_source, W1, W2):
    W1a = W1[:CS]
    W1b = W1[CS:]
    xst = jnp.swapaxes(xyz_source, 1, 2)

    G = pl.pallas_call(
        _g_kernel,
        grid=(B,),
        in_specs=[
            pl.BlockSpec((1, NS, CS), lambda b: (b, 0, 0)),
            pl.BlockSpec((CS, C1), lambda b: (0, 0)),
        ],
        out_specs=pl.BlockSpec((1, NS, C1), lambda b: (b, 0, 0)),
        out_shape=jax.ShapeDtypeStruct((B, NS, C1), jnp.float32),
    )(feats_source, W1a)

    idx3, w3 = pl.pallas_call(
        _nn_kernel,
        grid=(B, NT // TB),
        in_specs=[
            pl.BlockSpec((1, TB, 3), lambda b, t: (b, t, 0)),
            pl.BlockSpec((1, 3, NS), lambda b, t: (b, 0, 0)),
        ],
        out_specs=[
            pl.BlockSpec((1, TB, 3), lambda b, t: (b, t, 0)),
            pl.BlockSpec((1, TB, 48), lambda b, t: (b, t, 0)),
        ],
        out_shape=[
            jax.ShapeDtypeStruct((B, NT, 3), jnp.int32),
            jax.ShapeDtypeStruct((B, NT, 48), jnp.float32),
        ],
    )(xyz_target, xst)

    g_flat = G.reshape(B * NS, C1)
    idx_flat = idx3.reshape(ROWS * 3)
    w_flat = w3.reshape(ROWS * 3, 16)

    sc_gather = pl.kernel(
        _gather_kernel,
        out_type=jax.ShapeDtypeStruct((ROWS, C1), jnp.float32),
        mesh=plsc.VectorSubcoreMesh(core_axis_name="c",
                                    subcore_axis_name="s"),
        scratch_types=[
            pltpu.VMEM((CH * 3,), jnp.int32),
            pltpu.VMEM((CH * 3, 16), jnp.float32),
            pltpu.VMEM((CH * 3, C1), jnp.float32),
            pltpu.VMEM((CH, C1), jnp.float32),
            pltpu.SemaphoreType.DMA,
        ],
    )
    interp = sc_gather(g_flat, idx_flat, w_flat)

    ft_flat = feats_target.reshape(ROWS, CT)
    out = pl.pallas_call(
        _mlp_kernel,
        grid=(ROWS // TBC,),
        in_specs=[
            pl.BlockSpec((TBC, C1), lambda i: (i, 0)),
            pl.BlockSpec((TBC, CT), lambda i: (i, 0)),
            pl.BlockSpec((CT, C1), lambda i: (0, 0)),
            pl.BlockSpec((C1, C2), lambda i: (0, 0)),
        ],
        out_specs=pl.BlockSpec((TBC, C2), lambda i: (i, 0)),
        out_shape=jax.ShapeDtypeStruct((ROWS, C2), jnp.float32),
    )(interp, ft_flat, W1b, W2)
    return out.reshape(B, NT, C2)

# --- scband reference (transcript-rebuilt; emitter-appended) ---
"""Pipeline reference for scband-pointnet-fp-6227702580014 (READ-ONLY COPY).

The authoritative reference and input builder live on the scoring server;
editing this copy changes nothing except your own understanding.
"""

import jax, jax.numpy as jnp
import numpy as np

B, NT, NS = 16, 4096, 1024
CT, CS = 256, 512
MLP = [256, 256]

def setup_inputs(seed: int = 0) -> dict:
    key = jax.random.key(seed)
    k1, k2, k3, k4, k5, k6 = jax.random.split(key, 6)
    xyz_target = jax.random.uniform(k1, (B, NT, 3), dtype=jnp.float32)
    xyz_source = jax.random.uniform(k2, (B, NS, 3), dtype=jnp.float32)
    feats_target = jax.random.normal(k3, (B, NT, CT), dtype=jnp.float32)
    feats_source = jax.random.normal(k4, (B, NS, CS), dtype=jnp.float32)
    c_in = CS + CT
    W1 = jax.random.normal(k5, (c_in, MLP[0]), dtype=jnp.float32) * jnp.sqrt(2.0 / (c_in + MLP[0]))
    W2 = jax.random.normal(k6, (MLP[0], MLP[1]), dtype=jnp.float32) * jnp.sqrt(2.0 / (MLP[0] + MLP[1]))
    return {"xyz_target": xyz_target, "xyz_source": xyz_source,
            "feats_target": feats_target, "feats_source": feats_source,
            "W1": W1, "W2": W2}

def _three_nn(xyz_source, xyz_target):
    # xyz_source: [B, NS, 3], xyz_target: [B, NT, 3]
    diff = xyz_target[:, :, None, :] - xyz_source[:, None, :, :]  # [B, NT, NS, 3]
    dis = jnp.linalg.norm(diff, axis=-1)  # [B, NT, NS]
    neg_dis, idx = jax.lax.top_k(-dis, 3)  # [B, NT, 3]
    neighbour_dis = jnp.maximum(-neg_dis, 1e-10)
    norm = jnp.sum(1.0 / neighbour_dis, axis=2, keepdims=True)  # [B, NT, 1]
    weight = 1.0 / neighbour_dis / norm  # [B, NT, 3]
    return weight, idx

def _three_interpolate(feats_source, idx, weights):
    weights_sum = jnp.sum(weights, axis=-1, keepdims=True) + 1e-06  # [B, NT, 1]
    weights_expand = weights[..., None]  # [B, NT, 3, 1]
    # tf.gather(feats_source, idx, batch_dims=1): [B, NS, C] x [B, NT, 3] -> [B, NT, 3, C]
    feats_selected = jax.vmap(lambda f, i: f[i])(feats_source, idx)
    inter_feats = jnp.sum(weights_expand * feats_selected, axis=2) / weights_sum
    return inter_feats

def reference(xyz_target, xyz_source, feats_target, feats_source, W1, W2):
    weight, neighbour_idx = _three_nn(xyz_source, xyz_target)
    interpolated_feats = _three_interpolate(feats_source, neighbour_idx, weight)
    new_feats = jnp.concatenate([interpolated_feats, feats_target], axis=2)  # [B, NT, CS+CT]
    # SharedMlP layers: 1x1 conv == matmul, activation relu, no bn
    h = jax.nn.relu(jnp.einsum('bnc,cd->bnd', new_feats, W1))
    h = jax.nn.relu(jnp.einsum('bnc,cd->bnd', h, W2))
    return h

if __name__ == "__main__":
    import jax
    _d = setup_inputs()
    print(jax.jit(kernel)(*tuple(_d.values())))

</pallas_src>

<mosaic_0001>
#map = affine_map<(d0, d1) -> (0, 0)>
#map1 = affine_map<(d0, d1) -> (0)>
module attributes {stable_mosaic.version = 14 : i64} {
  func.func @_gather_kernel(%arg0: i32, %arg1: i32, %arg2: memref<16384x256xf32, #tpu.memory_space<hbm>>, %arg3: memref<196608xi32, #tpu.memory_space<hbm>>, %arg4: memref<196608x16xf32, #tpu.memory_space<hbm>>, %arg5: memref<65536x256xf32, #tpu.memory_space<hbm>>, %arg6: memref<96xi32, #tpu.memory_space<vmem>>, %arg7: memref<96x16xf32, #tpu.memory_space<vmem>>, %arg8: memref<96x256xf32, #tpu.memory_space<vmem>>, %arg9: memref<32x256xf32, #tpu.memory_space<vmem>>, %arg10: memref<!tpu.dma_semaphore, #tpu.memory_space<semaphore_mem>>) attributes {dimension_semantics = [#tpu.dimension_semantics<core_parallel>, #tpu.dimension_semantics<subcore_parallel>], iteration_bounds = array<i64: 2, 16>, scalar_prefetch = 0 : i64, scratch_operands = 5 : i64, tpu.core_type = #tpu.core_type<sc_vector_subcore>, window_params = [{transform_indices = #map}, {transform_indices = #map1}, {transform_indices = #map}, {transform_indices = #map}]} {
    %mul3A = arith.constant 2 : i32
    %mul3A_0 = arith.muli %arg1, %mul3A : i32
    %add3A = arith.addi %mul3A_0, %arg0 : i32
    %scan3A = arith.constant 0 : i32
    %scan3A_1 = arith.constant 0 : i32
    %scan3A_2 = arith.constant 64 : i32
    %scan3A_3 = arith.addi %scan3A_1, %scan3A_2 : i32
    %scan3A_4 = arith.constant 1 : i32
    scf.for %scan3A_6 = %scan3A_1 to %scan3A_3 step %scan3A_4  : i32 {
      %mul3A_7 = arith.constant 2048 : i32
      %mul3A_8 = arith.muli %add3A, %mul3A_7 : i32
      %mul3A_9 = arith.constant 32 : i32
      %mul3A_10 = arith.muli %scan3A_6, %mul3A_9 : i32
      %add3A_11 = arith.addi %mul3A_8, %mul3A_10 : i32
      %mul3A_12 = arith.constant 3 : i32
      %mul3A_13 = arith.muli %add3A_11, %mul3A_12 : i32
      "tpu.region"() ({
        %run_scoped3A = tpu.sem_alloc : memref<!tpu.dma_semaphore, #tpu.memory_space<semaphore_mem>>
        %dma_start3A_26 = tpu.memref_slice %arg3[%mul3A_13] : memref<196608xi32, #tpu.memory_space<hbm>> -> memref<96xi32, #tpu.memory_space<hbm>>
        %dma_start3A_27 = tpu.memref_slice %arg3[%mul3A_13] : memref<196608xi32, #tpu.memory_space<hbm>> -> memref<96xi32, #tpu.memory_space<hbm>>
        tpu.enqueue_dma source(%dma_start3A_27 : memref<96xi32, #tpu.memory_space<hbm>>) target(%arg6 : memref<96xi32, #tpu.memory_space<vmem>>) target_semaphore(%run_scoped3A : memref<!tpu.dma_semaphore, #tpu.memory_space<semaphore_mem>>)
        %dma_wait3A_28 = tpu.memref_slice %arg3[%mul3A_13] : memref<196608xi32, #tpu.memory_space<hbm>> -> memref<96xi32, #tpu.memory_space<hbm>>
        %dma_wait3A_29 = tpu.memref_slice %arg3[%mul3A_13] : memref<196608xi32, #tpu.memory_space<hbm>> -> memref<96xi32, #tpu.memory_space<hbm>>
        tpu.wait_dma2 semaphore(%run_scoped3A : memref<!tpu.dma_semaphore, #tpu.memory_space<semaphore_mem>>) src(%dma_wait3A_29 : memref<96xi32, #tpu.memory_space<hbm>>) dst(%arg6 : memref<96xi32, #tpu.memory_space<vmem>>)
        tpu.yield
      }) : () -> ()
      %mul3A_14 = arith.constant 3 : i32
      %mul3A_15 = arith.muli %add3A_11, %mul3A_14 : i32
      "tpu.region"() ({
        %run_scoped3A = tpu.sem_alloc : memref<!tpu.dma_semaphore, #tpu.memory_space<semaphore_mem>>
        %dma_start3A_26 = arith.constant 0 : i32
        %dma_start3A_27 = tpu.memref_slice %arg4[%mul3A_15, %dma_start3A_26] : memref<196608x16xf32, #tpu.memory_space<hbm>> -> memref<96x16xf32, #tpu.memory_space<hbm>>
        %dma_start3A_28 = arith.constant 0 : i32
        %dma_start3A_29 = tpu.memref_slice %arg4[%mul3A_15, %dma_start3A_28] : memref<196608x16xf32, #tpu.memory_space<hbm>> -> memref<96x16xf32, #tpu.memory_space<hbm>>
        tpu.enqueue_dma source(%dma_start3A_29 : memref<96x16xf32, #tpu.memory_space<hbm>>) target(%arg7 : memref<96x16xf32, #tpu.memory_space<vmem>>) target_semaphore(%run_scoped3A : memref<!tpu.dma_semaphore, #tpu.memory_space<semaphore_mem>>)
        %dma_wait3A_30 = arith.constant 0 : i32
        %dma_wait3A_31 = tpu.memref_slice %arg4[%mul3A_15, %dma_wait3A_30] : memref<196608x16xf32, #tpu.memory_space<hbm>> -> memref<96x16xf32, #tpu.memory_space<hbm>>
        %dma_wait3A_32 = arith.constant 0 : i32
        %dma_wait3A_33 = tpu.memref_slice %arg4[%mul3A_15, %dma_wait3A_32] : memref<196608x16xf32, #tpu.memory_space<hbm>> -> memref<96x16xf32, #tpu.memory_space<hbm>>
        tpu.wait_dma2 semaphore(%run_scoped3A : memref<!tpu.dma_semaphore, #tpu.memory_space<semaphore_mem>>) src(%dma_wait3A_33 : memref<96x16xf32, #tpu.memory_space<hbm>>) dst(%arg7 : memref<96x16xf32, #tpu.memory_space<vmem>>)
        tpu.yield
      }) : () -> ()
      %dma_start3A = arith.constant 0 : i32
      %dma_start3A_16 = arith.constant 0 : i32
      %dma_start3A_17 = tpu.memref_slice %arg2[%dma_start3A, %dma_start3A_16] : memref<16384x256xf32, #tpu.memory_space<hbm>> -> memref<16384x256xf32, #tpu.memory_space<hbm>>
      tpu.enqueue_indirect_dma source(%dma_start3A_17 : memref<16384x256xf32, #tpu.memory_space<hbm>>) target(%arg8 : memref<96x256xf32, #tpu.memory_space<vmem>>) offsets(%arg6 : memref<96xi32, #tpu.memory_space<vmem>>) semaphore(%arg10 : memref<!tpu.dma_semaphore, #tpu.memory_space<semaphore_mem>>)
      %dma_wait3A = arith.constant 0 : i32
      %dma_wait3A_18 = arith.constant 0 : i32
      %dma_wait3A_19 = tpu.memref_slice %arg2[%dma_wait3A, %dma_wait3A_18] : memref<16384x256xf32, #tpu.memory_space<hbm>> -> memref<16384x256xf32, #tpu.memory_space<hbm>>
      tpu.wait_indirect_dma semaphore(%arg10 : memref<!tpu.dma_semaphore, #tpu.memory_space<semaphore_mem>>) src(%dma_wait3A_19 : memref<16384x256xf32, #tpu.memory_space<hbm>>) dst(%arg8 : memref<96x256xf32, #tpu.memory_space<vmem>>)
      %scan3A_20 = arith.constant 0 : i32
      %scan3A_21 = arith.constant 0 : i32
      %scan3A_22 = arith.constant 32 : i32
      %scan3A_23 = arith.addi %scan3A_21, %scan3A_22 : i32
      %scan3A_24 = arith.constant 1 : i32
      scf.for %scan3A_26 = %scan3A_21 to %scan3A_23 step %scan3A_24  : i32 {
        %mul3A_27 = arith.constant 3 : i32
        %mul3A_28 = arith.muli %mul3A_27, %scan3A_26 : i32
        %get3A = arith.index_cast %mul3A_28 : i32 to index
        %get3A_29 = arith.constant 0 : index
        %get3A_30 = tpu.vector_load %arg7[%get3A, %get3A_29] {strides = array<i32>} : memref<96x16xf32, #tpu.memory_space<vmem>>, vector<1x16xf32>,
        %get3A_31 = vector.shape_cast %get3A_30 : vector<1x16xf32> to vector<16xf32>
        %mul3A_32 = arith.constant 3 : i32
        %mul3A_33 = arith.muli %mul3A_32, %scan3A_26 : i32
        %add3A_34 = arith.constant 1 : i32
        %add3A_35 = arith.addi %mul3A_33, %add3A_34 : i32
        %get3A_36 = arith.index_cast %add3A_35 : i32 to index
        %get3A_37 = arith.constant 0 : index
        %get3A_38 = tpu.vector_load %arg7[%get3A_36, %get3A_37] {strides = array<i32>} : memref<96x16xf32, #tpu.memory_space<vmem>>, vector<1x16xf32>,
        %get3A_39 = vector.shape_cast %get3A_38 : vector<1x16xf32> to vector<16xf32>
        %mul3A_40 = arith.constant 3 : i32
        %mul3A_41 = arith.muli %mul3A_40, %scan3A_26 : i32
        %add3A_42 = arith.constant 2 : i32
        %add3A_43 = arith.addi %mul3A_41, %add3A_42 : i32
        %get3A_44 = arith.index_cast %add3A_43 : i32 to index
        %get3A_45 = arith.constant 0 : index
        %get3A_46 = tpu.vector_load %arg7[%get3A_44, %get3A_45] {strides = array<i32>} : memref<96x16xf32, #tpu.memory_space<vmem>>, vector<1x16xf32>,
        %get3A_47 = vector.shape_cast %get3A_46 : vector<1x16xf32> to vector<16xf32>
        %mul3A_48 = arith.constant 3 : i32
        %mul3A_49 = arith.muli %mul3A_48, %scan3A_26 : i32
        %get3A_50 = arith.index_cast %mul3A_49 : i32 to index
        %get3A_51 = arith.constant 0 : index
        %get3A_52 = tpu.vector_load %arg8[%get3A_50, %get3A_51] {strides = array<i32>} : memref<96x256xf32, #tpu.memory_space<vmem>>, vector<1x16xf32>,
        %get3A_53 = vector.shape_cast %get3A_52 : vector<1x16xf32> to vector<16xf32>
        %mul3A_54 = arith.mulf %get3A_53, %get3A_31 : vector<16xf32>
        %mul3A_55 = arith.constant 3 : i32
        %mul3A_56 = arith.muli %mul3A_55, %scan3A_26 : i32
        %add3A_57 = arith.constant 1 : i32
        %add3A_58 = arith.addi %mul3A_56, %add3A_57 : i32
        %get3A_59 = arith.index_cast %add3A_58 : i32 to index
        %get3A_60 = arith.constant 0 : index
        %get3A_61 = tpu.vector_load %arg8[%get3A_59, %get3A_60] {strides = array<i32>} : memref<96x256xf32, #tpu.memory_space<vmem>>, vector<1x16xf32>,
        %get3A_62 = vector.shape_cast %get3A_61 : vector<1x16xf32> to vector<16xf32>
        %mul3A_63 = arith.mulf %get3A_62, %get3A_39 : vector<16xf32>
        %add3A_64 = arith.addf %mul3A_54, %mul3A_63 : vector<16xf32>
        %mul3A_65 = arith.constant 3 : i32
        %mul3A_66 = arith.muli %mul3A_65, %scan3A_26 : i32
        %add3A_67 = arith.constant 2 : i32
        %add3A_68 = arith.addi %mul3A_66, %add3A_67 : i32
        %get3A_69 = arith.index_cast %add3A_68 : i32 to index
        %get3A_70 = arith.constant 0 : index
        %get3A_71 = tpu.vector_load %arg8[%get3A_69, %get3A_70] {strides = array<i32>} : memref<96x256xf32, #tpu.memory_space<vmem>>, vector<1x16xf32>,
        %get3A_72 = vector.shape_cast %get3A_71 : vector<1x16xf32> to vector<16xf32>
        %mul3A_73 = arith.mulf %get3A_72, %get3A_47 : vector<16xf32>
        %add3A_74 = arith.addf %add3A_64, %mul3A_73 : vector<16xf32>
        %swap3A = arith.index_cast %scan3A_26 : i32 to index
        %swap3A_75 = arith.constant 0 : index
        %swap3A_76 = tpu.vector_load %arg9[%swap3A, %swap3A_75] {strides = array<i32>} : memref<32x256xf32, #tpu.memory_space<vmem>>, vector<1x16xf32>,
        %swap3A_77 = vector.shape_cast %swap3A_76 : vector<1x16xf32> to vector<16xf32>
        %swap3A_78 = vector.shape_cast %add3A_74 : vector<16xf32> to vector<1x16xf32>
        tpu.vector_store %arg9[%swap3A, %swap3A_75], %swap3A_78 {strides = array<i32>} : memref<32x256xf32, #tpu.memory_space<vmem>>, vector<1x16xf32>,
        %mul3A_79 = arith.constant 3 : i32
        %mul3A_80 = arith.muli %mul3A_79, %scan3A_26 : i32
        %get3A_81 = arith.index_cast %mul3A_80 : i32 to index
        %get3A_82 = arith.constant 16 : index
        %get3A_83 = tpu.vector_load %arg8[%get3A_81, %get3A_82] {strides = array<i32>} : memref<96x256xf32, #tpu.memory_space<vmem>>, vector<1x16xf32>,
        %get3A_84 = vector.shape_cast %get3A_83 : vector<1x16xf32> to vector<16xf32>
        %mul3A_85 = arith.mulf %get3A_84, %get3A_31 : vector<16xf32>
        %mul3A_86 = arith.constant 3 : i32
        %mul3A_87 = arith.muli %mul3A_86, %scan3A_26 : i32
        %add3A_88 = arith.constant 1 : i32
        %add3A_89 = arith.addi %mul3A_87, %add3A_88 : i32
        %get3A_90 = arith.index_cast %add3A_89 : i32 to index
        %get3A_91 = arith.constant 16 : index
        %get3A_92 = tpu.vector_load %arg8[%get3A_90, %get3A_91] {strides = array<i32>} : memref<96x256xf32, #tpu.memory_space<vmem>>, vector<1x16xf32>,
        %get3A_93 = vector.shape_cast %get3A_92 : vector<1x16xf32> to vector<16xf32>
        %mul3A_94 = arith.mulf %get3A_93, %get3A_39 : vector<16xf32>
        %add3A_95 = arith.addf %mul3A_85, %mul3A_94 : vector<16xf32>
        %mul3A_96 = arith.constant 3 : i32
        %mul3A_97 = arith.muli %mul3A_96, %scan3A_26 : i32
        %add3A_98 = arith.constant 2 : i32
        %add3A_99 = arith.addi %mul3A_97, %add3A_98 : i32
        %get3A_100 = arith.index_cast %add3A_99 : i32 to index
        %get3A_101 = arith.constant 16 : index
        %get3A_102 = tpu.vector_load %arg8[%get3A_100, %get3A_101] {strides = array<i32>} : memref<96x256xf32, #tpu.memory_space<vmem>>, vector<1x16xf32>,
        %get3A_103 = vector.shape_cast %get3A_102 : vector<1x16xf32> to vector<16xf32>
        %mul3A_104 = arith.mulf %get3A_103, %get3A_47 : vector<16xf32>
        %add3A_105 = arith.addf %add3A_95, %mul3A_104 : vector<16xf32>
        %swap3A_106 = arith.index_cast %scan3A_26 : i32 to index
        %swap3A_107 = arith.constant 16 : index
        %swap3A_108 = tpu.vector_load %arg9[%swap3A_106, %swap3A_107] {strides = array<i32>} : memref<32x256xf32, #tpu.memory_space<vmem>>, vector<1x16xf32>,
        %swap3A_109 = vector.shape_cast %swap3A_108 : vector<1x16xf32> to vector<16xf32>
        %swap3A_110 = vector.shape_cast %add3A_105 : vector<16xf32> to vector<1x16xf32>
        tpu.vector_store %arg9[%swap3A_106, %swap3A_107], %swap3A_110 {strides = array<i32>} : memref<32x256xf32, #tpu.memory_space<vmem>>, vector<1x16xf32>,
        %mul3A_111 = arith.constant 3 : i32
        %mul3A_112 = arith.muli %mul3A_111, %scan3A_26 : i32
        %get3A_113 = arith.index_cast %mul3A_112 : i32 to index
        %get3A_114 = arith.constant 32 : index
        %get3A_115 = tpu.vector_load %arg8[%get3A_113, %get3A_114] {strides = array<i32>} : memref<96x256xf32, #tpu.memory_space<vmem>>, vector<1x16xf32>,
        %get3A_116 = vector.shape_cast %get3A_115 : vector<1x16xf32> to vector<16xf32>
        %mul3A_117 = arith.mulf %get3A_116, %get3A_31 : vector<16xf32>
        %mul3A_118 = arith.constant 3 : i32
        %mul3A_119 = arith.muli %mul3A_118, %scan3A_26 : i32
        %add3A_120 = arith.constant 1 : i32
        %add3A_121 = arith.addi %mul3A_119, %add3A_120 : i32
        %get3A_122 = arith.index_cast %add3A_121 : i32 to index
        %get3A_123 = arith.constant 32 : index
        %get3A_124 = tpu.vector_load %arg8[%get3A_122, %get3A_123] {strides = array<i32>} : memref<96x256xf32, #tpu.memory_space<vmem>>, vector<1x16xf32>,
        %get3A_125 = vector.shape_cast %get3A_124 : vector<1x16xf32> to vector<16xf32>
        %mul3A_126 = arith.mulf %get3A_125, %get3A_39 : vector<16xf32>
        %add3A_127 = arith.addf %mul3A_117, %mul3A_126 : vector<16xf32>
        %mul3A_128 = arith.constant 3 : i32
        %mul3A_129 = arith.muli %mul3A_128, %scan3A_26 : i32
        %add3A_130 = arith.constant 2 : i32
        %add3A_131 = arith.addi %mul3A_129, %add3A_130 : i32
        %get3A_132 = arith.index_cast %add3A_131 : i32 to index
        %get3A_133 = arith.constant 32 : index
        %get3A_134 = tpu.vector_load %arg8[%get3A_132, %get3A_133] {strides = array<i32>} : memref<96x256xf32, #tpu.memory_space<vmem>>, vector<1x16xf32>,
        %get3A_135 = vector.shape_cast %get3A_134 : vector<1x16xf32> to vector<16xf32>
        %mul3A_136 = arith.mulf %get3A_135, %get3A_47 : vector<16xf32>
        %add3A_137 = arith.addf %add3A_127, %mul3A_136 : vector<16xf32>
        %swap3A_138 = arith.index_cast %scan3A_26 : i32 to index
        %swap3A_139 = arith.constant 32 : index
        %swap3A_140 = tpu.vector_load %arg9[%swap3A_138, %swap3A_139] {strides = array<i32>} : memref<32x256xf32, #tpu.memory_space<vmem>>, vector<1x16xf32>,
        %swap3A_141 = vector.shape_cast %swap3A_140 : vector<1x16xf32> to vector<16xf32>
        %swap3A_142 = vector.shape_cast %add3A_137 : vector<16xf32> to vector<1x16xf32>
        tpu.vector_store %arg9[%swap3A_138, %swap3A_139], %swap3A_142 {strides = array<i32>} : memref<32x256xf32, #tpu.memory_space<vmem>>, vector<1x16xf32>,
        %mul3A_143 = arith.constant 3 : i32
        %mul3A_144 = arith.muli %mul3A_143, %scan3A_26 : i32
        %get3A_145 = arith.index_cast %mul3A_144 : i32 to index
        %get3A_146 = arith.constant 48 : index
        %get3A_147 = tpu.vector_load %arg8[%get3A_145, %get3A_146] {strides = array<i32>} : memref<96x256xf32, #tpu.memory_space<vmem>>, vector<1x16xf32>,
        %get3A_148 = vector.shape_cast %get3A_147 : vector<1x16xf32> to vector<16xf32>
        %mul3A_149 = arith.mulf %get3A_148, %get3A_31 : vector<16xf32>
        %mul3A_150 = arith.constant 3 : i32
        %mul3A_151 = arith.muli %mul3A_150, %scan3A_26 : i32
        %add3A_152 = arith.constant 1 : i32
        %add3A_153 = arith.addi %mul3A_151, %add3A_152 : i32
        %get3A_154 = arith.index_cast %add3A_153 : i32 to index
        %get3A_155 = arith.constant 48 : index
        %get3A_156 = tpu.vector_load %arg8[%get3A_154, %get3A_155] {strides = array<i32>} : memref<96x256xf32, #tpu.memory_space<vmem>>, vector<1x16xf32>,
        %get3A_157 = vector.shape_cast %get3A_156 : vector<1x16xf32> to vector<16xf32>
        %mul3A_158 = arith.mulf %get3A_157, %get3A_39 : vector<16xf32>
        %add3A_159 = arith.addf %mul3A_149, %mul3A_158 : vector<16xf32>
        %mul3A_160 = arith.constant 3 : i32
        %mul3A_161 = arith.muli %mul3A_160, %scan3A_26 : i32
        %add3A_162 = arith.constant 2 : i32
        %add3A_163 = arith.addi %mul3A_161, %add3A_162 : i32
        %get3A_164 = arith.index_cast %add3A_163 : i32 to index
        %get3A_165 = arith.constant 48 : index
        %get3A_166 = tpu.vector_load %arg8[%get3A_164, %get3A_165] {strides = array<i32>} : memref<96x256xf32, #tpu.memory_space<vmem>>, vector<1x16xf32>,
        %get3A_167 = vector.shape_cast %get3A_166 : vector<1x16xf32> to vector<16xf32>
        %mul3A_168 = arith.mulf %get3A_167, %get3A_47 : vector<16xf32>
        %add3A_169 = arith.addf %add3A_159, %mul3A_168 : vector<16xf32>
        %swap3A_170 = arith.index_cast %scan3A_26 : i32 to index
        %swap3A_171 = arith.constant 48 : index
        %swap3A_172 = tpu.vector_load %arg9[%swap3A_170, %swap3A_171] {strides = array<i32>} : memref<32x256xf32, #tpu.memory_space<vmem>>, vector<1x16xf32>,
        %swap3A_173 = vector.shape_cast %swap3A_172 : vector<1x16xf32> to vector<16xf32>
        %swap3A_174 = vector.shape_cast %add3A_169 : vector<16xf32> to vector<1x16xf32>
        tpu.vector_store %arg9[%swap3A_170, %swap3A_171], %swap3A_174 {strides = array<i32>} : memref<32x256xf32, #tpu.memory_space<vmem>>, vector<1x16xf32>,
        %mul3A_175 = arith.constant 3 : i32
        %mul3A_176 = arith.muli %mul3A_175, %scan3A_26 : i32
        %get3A_177 = arith.index_cast %mul3A_176 : i32 to index
        %get3A_178 = arith.constant 64 : index
        %get3A_179 = tpu.vector_load %arg8[%get3A_177, %get3A_178] {strides = array<i32>} : memref<96x256xf32, #tpu.memory_space<vmem>>, vector<1x16xf32>,
        %get3A_180 = vector.shape_cast %get3A_179 : vector<1x16xf32> to vector<16xf32>
        %mul3A_181 = arith.mulf %get3A_180, %get3A_31 : vector<16xf32>
        %mul3A_182 = arith.constant 3 : i32
        %mul3A_183 = arith.muli %mul3A_182, %scan3A_26 : i32
        %add3A_184 = arith.constant 1 : i32
        %add3A_185 = arith.addi %mul3A_183, %add3A_184 : i32
        %get3A_186 = arith.index_cast %add3A_185 : i32 to index
        %get3A_187 = arith.constant 64 : index
        %get3A_188 = tpu.vector_load %arg8[%get3A_186, %get3A_187] {strides = array<i32>} : memref<96x256xf32, #tpu.memory_space<vmem>>, vector<1x16xf32>,
        %get3A_189 = vector.shape_cast %get3A_188 : vector<1x16xf32> to vector<16xf32>
        %mul3A_190 = arith.mulf %get3A_189, %get3A_39 : vector<16xf32>
        %add3A_191 = arith.addf %mul3A_181, %mul3A_190 : vector<16xf32>
        %mul3A_192 = arith.constant 3 : i32
        %mul3A_193 = arith.muli %mul3A_192, %scan3A_26 : i32
        %add3A_194 = arith.constant 2 : i32
        %add3A_195 = arith.addi %mul3A_193, %add3A_194 : i32
        %get3A_196 = arith.index_cast %add3A_195 : i32 to index
        %get3A_197 = arith.constant 64 : index
        %get3A_198 = tpu.vector_load %arg8[%get3A_196, %get3A_197] {strides = array<i32>} : memref<96x256xf32, #tpu.memory_space<vmem>>, vector<1x16xf32>,
        %get3A_199 = vector.shape_cast %get3A_198 : vector<1x16xf32> to vector<16xf32>
        %mul3A_200 = arith.mulf %get3A_199, %get3A_47 : vector<16xf32>
        %add3A_201 = arith.addf %add3A_191, %mul3A_200 : vector<16xf32>
        %swap3A_202 = arith.index_cast %scan3A_26 : i32 to index
        %swap3A_203 = arith.constant 64 : index
        %swap3A_204 = tpu.vector_load %arg9[%swap3A_202, %swap3A_203] {strides = array<i32>} : memref<32x256xf32, #tpu.memory_space<vmem>>, vector<1x16xf32>,
        %swap3A_205 = vector.shape_cast %swap3A_204 : vector<1x16xf32> to vector<16xf32>
        %swap3A_206 = vector.shape_cast %add3A_201 : vector<16xf32> to vector<1x16xf32>
        tpu.vector_store %arg9[%swap3A_202, %swap3A_203], %swap3A_206 {strides = array<i32>} : memref<32x256xf32, #tpu.memory_space<vmem>>, vector<1x16xf32>,
        %mul3A_207 = arith.constant 3 : i32
        %mul3A_208 = arith.muli %mul3A_207, %scan3A_26 : i32
        %get3A_209 = arith.index_cast %mul3A_208 : i32 to index
        %get3A_210 = arith.constant 80 : index
        %get3A_211 = tpu.vector_load %arg8[%get3A_209, %get3A_210] {strides = array<i32>} : memref<96x256xf32, #tpu.memory_space<vmem>>, vector<1x16xf32>,
        %get3A_212 = vector.shape_cast %get3A_211 : vector<1x16xf32> to vector<16xf32>
        %mul3A_213 = arith.mulf %get3A_212, %get3A_31 : vector<16xf32>
        %mul3A_214 = arith.constant 3 : i32
        %mul3A_215 = arith.muli %mul3A_214, %scan3A_26 : i32
        %add3A_216 = arith.constant 1 : i32
        %add3A_217 = arith.addi %mul3A_215, %add3A_216 : i32
        %get3A_218 = arith.index_cast %add3A_217 : i32 to index
        %get3A_219 = arith.constant 80 : index
        %get3A_220 = tpu.vector_load %arg8[%get3A_218, %get3A_219] {strides = array<i32>} : memref<96x256xf32, #tpu.memory_space<vmem>>, vector<1x16xf32>,
        %get3A_221 = vector.shape_cast %get3A_220 : vector<1x16xf32> to vector<16xf32>
        %mul3A_222 = arith.mulf %get3A_221, %get3A_39 : vector<16xf32>
        %add3A_223 = arith.addf %mul3A_213, %mul3A_222 : vector<16xf32>
        %mul3A_224 = arith.constant 3 : i32
        %mul3A_225 = arith.muli %mul3A_224, %scan3A_26 : i32
        %add3A_226 = arith.constant 2 : i32
        %add3A_227 = arith.addi %mul3A_225, %add3A_226 : i32
        %get3A_228 = arith.index_cast %add3A_227 : i32 to index
        %get3A_229 = arith.constant 80 : index
        %get3A_230 = tpu.vector_load %arg8[%get3A_228, %get3A_229] {strides = array<i32>} : memref<96x256xf32, #tpu.memory_space<vmem>>, vector<1x16xf32>,
        %get3A_231 = vector.shape_cast %get3A_230 : vector<1x16xf32> to vector<16xf32>
        %mul3A_232 = arith.mulf %get3A_231, %get3A_47 : vector<16xf32>
        %add3A_233 = arith.addf %add3A_223, %mul3A_232 : vector<16xf32>
        %swap3A_234 = arith.index_cast %scan3A_26 : i32 to index
        %swap3A_235 = arith.constant 80 : index
        %swap3A_236 = tpu.vector_load %arg9[%swap3A_234, %swap3A_235] {strides = array<i32>} : memref<32x256xf32, #tpu.memory_space<vmem>>, vector<1x16xf32>,
        %swap3A_237 = vector.shape_cast %swap3A_236 : vector<1x16xf32> to vector<16xf32>
        %swap3A_238 = vector.shape_cast %add3A_233 : vector<16xf32> to vector<1x16xf32>
        tpu.vector_store %arg9[%swap3A_234, %swap3A_235], %swap3A_238 {strides = array<i32>} : memref<32x256xf32, #tpu.memory_space<vmem>>, vector<1x16xf32>,
        %mul3A_239 = arith.constant 3 : i32
        %mul3A_240 = arith.muli %mul3A_239, %scan3A_26 : i32
        %get3A_241 = arith.index_cast %mul3A_240 : i32 to index
        %get3A_242 = arith.constant 96 : index
        %get3A_243 = tpu.vector_load %arg8[%get3A_241, %get3A_242] {strides = array<i32>} : memref<96x256xf32, #tpu.memory_space<vmem>>, vector<1x16xf32>,
        %get3A_244 = vector.shape_cast %get3A_243 : vector<1x16xf32> to vector<16xf32>
        %mul3A_245 = arith.mulf %get3A_244, %get3A_31 : vector<16xf32>
        %mul3A_246 = arith.constant 3 : i32
        %mul3A_247 = arith.muli %mul3A_246, %scan3A_26 : i32
        %add3A_248 = arith.constant 1 : i32
        %add3A_249 = arith.addi %mul3A_247, %add3A_248 : i32
        %get3A_250 = arith.index_cast %add3A_249 : i32 to index
        %get3A_251 = arith.constant 96 : index
        %get3A_252 = tpu.vector_load %arg8[%get3A_250, %get3A_251] {strides = array<i32>} : memref<96x256xf32, #tpu.memory_space<vmem>>, vector<1x16xf32>,
        %get3A_253 = vector.shape_cast %get3A_252 : vector<1x16xf32> to vector<16xf32>
        %mul3A_254 = arith.mulf %get3A_253, %get3A_39 : vector<16xf32>
        %add3A_255 = arith.addf %mul3A_245, %mul3A_254 : vector<16xf32>
        %mul3A_256 = arith.constant 3 : i32
        %mul3A_257 = arith.muli %mul3A_256, %scan3A_26 : i32
        %add3A_258 = arith.constant 2 : i32
        %add3A_259 = arith.addi %mul3A_257, %add3A_258 : i32
        %get3A_260 = arith.index_cast %add3A_259 : i32 to index
        %get3A_261 = arith.constant 96 : index
        %get3A_262 = tpu.vector_load %arg8[%get3A_260, %get3A_261] {strides = array<i32>} : memref<96x256xf32, #tpu.memory_space<vmem>>, vector<1x16xf32>,
        %get3A_263 = vector.shape_cast %get3A_262 : vector<1x16xf32> to vector<16xf32>
        %mul3A_264 = arith.mulf %get3A_263, %get3A_47 : vector<16xf32>
        %add3A_265 = arith.addf %add3A_255, %mul3A_264 : vector<16xf32>
        %swap3A_266 = arith.index_cast %scan3A_26 : i32 to index
        %swap3A_267 = arith.constant 96 : index
        %swap3A_268 = tpu.vector_load %arg9[%swap3A_266, %swap3A_267] {strides = array<i32>} : memref<32x256xf32, #tpu.memory_space<vmem>>, vector<1x16xf32>,
        %swap3A_269 = vector.shape_cast %swap3A_268 : vector<1x16xf32> to vector<16xf32>
        %swap3A_270 = vector.shape_cast %add3A_265 : vector<16xf32> to vector<1x16xf32>
        tpu.vector_store %arg9[%swap3A_266, %swap3A_267], %swap3A_270 {strides = array<i32>} : memref<32x256xf32, #tpu.memory_space<vmem>>, vector<1x16xf32>,
        %mul3A_271 = arith.constant 3 : i32
        %mul3A_272 = arith.muli %mul3A_271, %scan3A_26 : i32
        %get3A_273 = arith.index_cast %mul3A_272 : i32 to index
        %get3A_274 = arith.constant 112 : index
        %get3A_275 = tpu.vector_load %arg8[%get3A_273, %get3A_274] {strides = array<i32>} : memref<96x256xf32, #tpu.memory_space<vmem>>, vector<1x16xf32>,
        %get3A_276 = vector.shape_cast %get3A_275 : vector<1x16xf32> to vector<16xf32>
        %mul3A_277 = arith.mulf %get3A_276, %get3A_31 : vector<16xf32>
        %mul3A_278 = arith.constant 3 : i32
        %mul3A_279 = arith.muli %mul3A_278, %scan3A_26 : i32
        %add3A_280 = arith.constant 1 : i32
        %add3A_281 = arith.addi %mul3A_279, %add3A_280 : i32
        %get3A_282 = arith.index_cast %add3A_281 : i32 to index
        %get3A_283 = arith.constant 112 : index
        %get3A_284 = tpu.vector_load %arg8[%get3A_282, %get3A_283] {strides = array<i32>} : memref<96x256xf32, #tpu.memory_space<vmem>>, vector<1x16xf32>,
        %get3A_285 = vector.shape_cast %get3A_284 : vector<1x16xf32> to vector<16xf32>
        %mul3A_286 = arith.mulf %get3A_285, %get3A_39 : vector<16xf32>
        %add3A_287 = arith.addf %mul3A_277, %mul3A_286 : vector<16xf32>
        %mul3A_288 = arith.constant 3 : i32
        %mul3A_289 = arith.muli %mul3A_288, %scan3A_26 : i32
        %add3A_290 = arith.constant 2 : i32
        %add3A_291 = arith.addi %mul3A_289, %add3A_290 : i32
        %get3A_292 = arith.index_cast %add3A_291 : i32 to index
        %get3A_293 = arith.constant 112 : index
        %get3A_294 = tpu.vector_load %arg8[%get3A_292, %get3A_293] {strides = array<i32>} : memref<96x256xf32, #tpu.memory_space<vmem>>, vector<1x16xf32>,
        %get3A_295 = vector.shape_cast %get3A_294 : vector<1x16xf32> to vector<16xf32>
        %mul3A_296 = arith.mulf %get3A_295, %get3A_47 : vector<16xf32>
        %add3A_297 = arith.addf %add3A_287, %mul3A_296 : vector<16xf32>
        %swap3A_298 = arith.index_cast %scan3A_26 : i32 to index
        %swap3A_299 = arith.constant 112 : index
        %swap3A_300 = tpu.vector_load %arg9[%swap3A_298, %swap3A_299] {strides = array<i32>} : memref<32x256xf32, #tpu.memory_space<vmem>>, vector<1x16xf32>,
        %swap3A_301 = vector.shape_cast %swap3A_300 : vector<1x16xf32> to vector<16xf32>
        %swap3A_302 = vector.shape_cast %add3A_297 : vector<16xf32> to vector<1x16xf32>
        tpu.vector_store %arg9[%swap3A_298, %swap3A_299], %swap3A_302 {strides = array<i32>} : memref<32x256xf32, #tpu.memory_space<vmem>>, vector<1x16xf32>,
        %mul3A_303 = arith.constant 3 : i32
        %mul3A_304 = arith.muli %mul3A_303, %scan3A_26 : i32
        %get3A_305 = arith.index_cast %mul3A_304 : i32 to index
        %get3A_306 = arith.constant 128 : index
        %get3A_307 = tpu.vector_load %arg8[%get3A_305, %get3A_306] {strides = array<i32>} : memref<96x256xf32, #tpu.memory_space<vmem>>, vector<1x16xf32>,
        %get3A_308 = vector.shape_cast %get3A_307 : vector<1x16xf32> to vector<16xf32>
        %mul3A_309 = arith.mulf %get3A_308, %get3A_31 : vector<16xf32>
        %mul3A_310 = arith.constant 3 : i32
        %mul3A_311 = arith.muli %mul3A_310, %scan3A_26 : i32
        %add3A_312 = arith.constant 1 : i32
        %add3A_313 = arith.addi %mul3A_311, %add3A_312 : i32
        %get3A_314 = arith.index_cast %add3A_313 : i32 to index
        %get3A_315 = arith.constant 128 : index
        %get3A_316 = tpu.vector_load %arg8[%get3A_314, %get3A_315] {strides = array<i32>} : memref<96x256xf32, #tpu.memory_space<vmem>>, vector<1x16xf32>,
        %get3A_317 = vector.shape_cast %get3A_316 : vector<1x16xf32> to vector<16xf32>
        %mul3A_318 = arith.mulf %get3A_317, %get3A_39 : vector<16xf32>
        %add3A_319 = arith.addf %mul3A_309, %mul3A_318 : vector<16xf32>
        %mul3A_320 = arith.constant 3 : i32
        %mul3A_321 = arith.muli %mul3A_320, %scan3A_26 : i32
        %add3A_322 = arith.constant 2 : i32
        %add3A_323 = arith.addi %mul3A_321, %add3A_322 : i32
        %get3A_324 = arith.index_cast %add3A_323 : i32 to index
        %get3A_325 = arith.constant 128 : index
        %get3A_326 = tpu.vector_load %arg8[%get3A_324, %get3A_325] {strides = array<i32>} : memref<96x256xf32, #tpu.memory_space<vmem>>, vector<1x16xf32>,
        %get3A_327 = vector.shape_cast %get3A_326 : vector<1x16xf32> to vector<16xf32>
        %mul3A_328 = arith.mulf %get3A_327, %get3A_47 : vector<16xf32>
        %add3A_329 = arith.addf %add3A_319, %mul3A_328 : vector<16xf32>
        %swap3A_330 = arith.index_cast %scan3A_26 : i32 to index
        %swap3A_331 = arith.constant 128 : index
        %swap3A_332 = tpu.vector_load %arg9[%swap3A_330, %swap3A_331] {strides = array<i32>} : memref<32x256xf32, #tpu.memory_space<vmem>>, vector<1x16xf32>,
        %swap3A_333 = vector.shape_cast %swap3A_332 : vector<1x16xf32> to vector<16xf32>
        %swap3A_334 = vector.shape_cast %add3A_329 : vector<16xf32> to vector<1x16xf32>
        tpu.vector_store %arg9[%swap3A_330, %swap3A_331], %swap3A_334 {strides = array<i32>} : memref<32x256xf32, #tpu.memory_space<vmem>>, vector<1x16xf32>,
        %mul3A_335 = arith.constant 3 : i32
        %mul3A_336 = arith.muli %mul3A_335, %scan3A_26 : i32
        %get3A_337 = arith.index_cast %mul3A_336 : i32 to index
        %get3A_338 = arith.constant 144 : index
        %get3A_339 = tpu.vector_load %arg8[%get3A_337, %get3A_338] {strides = array<i32>} : memref<96x256xf32, #tpu.memory_space<vmem>>, vector<1x16xf32>,
        %get3A_340 = vector.shape_cast %get3A_339 : vector<1x16xf32> to vector<16xf32>
        %mul3A_341 = arith.mulf %get3A_340, %get3A_31 : vector<16xf32>
        %mul3A_342 = arith.constant 3 : i32
        %mul3A_343 = arith.muli %mul3A_342, %scan3A_26 : i32
        %add3A_344 = arith.constant 1 : i32
        %add3A_345 = arith.addi %mul3A_343, %add3A_344 : i32
        %get3A_346 = arith.index_cast %add3A_345 : i32 to index
        %get3A_347 = arith.constant 144 : index
        %get3A_348 = tpu.vector_load %arg8[%get3A_346, %get3A_347] {strides = array<i32>} : memref<96x256xf32, #tpu.memory_space<vmem>>, vector<1x16xf32>,
        %get3A_349 = vector.shape_cast %get3A_348 : vector<1x16xf32> to vector<16xf32>
        %mul3A_350 = arith.mulf %get3A_349, %get3A_39 : vector<16xf32>
        %add3A_351 = arith.addf %mul3A_341, %mul3A_350 : vector<16xf32>
        %mul3A_352 = arith.constant 3 : i32
        %mul3A_353 = arith.muli %mul3A_352, %scan3A_26 : i32
        %add3A_354 = arith.constant 2 : i32
        %add3A_355 = arith.addi %mul3A_353, %add3A_354 : i32
        %get3A_356 = arith.index_cast %add3A_355 : i32 to index
        %get3A_357 = arith.constant 144 : index
        %get3A_358 = tpu.vector_load %arg8[%get3A_356, %get3A_357] {strides = array<i32>} : memref<96x256xf32, #tpu.memory_space<vmem>>, vector<1x16xf32>,
        %get3A_359 = vector.shape_cast %get3A_358 : vector<1x16xf32> to vector<16xf32>
        %mul3A_360 = arith.mulf %get3A_359, %get3A_47 : vector<16xf32>
        %add3A_361 = arith.addf %add3A_351, %mul3A_360 : vector<16xf32>
        %swap3A_362 = arith.index_cast %scan3A_26 : i32 to index
        %swap3A_363 = arith.constant 144 : index
        %swap3A_364 = tpu.vector_load %arg9[%swap3A_362, %swap3A_363] {strides = array<i32>} : memref<32x256xf32, #tpu.memory_space<vmem>>, vector<1x16xf32>,
        %swap3A_365 = vector.shape_cast %swap3A_364 : vector<1x16xf32> to vector<16xf32>
        %swap3A_366 = vector.shape_cast %add3A_361 : vector<16xf32> to vector<1x16xf32>
        tpu.vector_store %arg9[%swap3A_362, %swap3A_363], %swap3A_366 {strides = array<i32>} : memref<32x256xf32, #tpu.memory_space<vmem>>, vector<1x16xf32>,
        %mul3A_367 = arith.constant 3 : i32
        %mul3A_368 = arith.muli %mul3A_367, %scan3A_26 : i32
        %get3A_369 = arith.index_cast %mul3A_368 : i32 to index
        %get3A_370 = arith.constant 160 : index
        %get3A_371 = tpu.vector_load %arg8[%get3A_369, %get3A_370] {strides = array<i32>} : memref<96x256xf32, #tpu.memory_space<vmem>>, vector<1x16xf32>,
        %get3A_372 = vector.shape_cast %get3A_371 : vector<1x16xf32> to vector<16xf32>
        %mul3A_373 = arith.mulf %get3A_372, %get3A_31 : vector<16xf32>
        %mul3A_374 = arith.constant 3 : i32
        %mul3A_375 = arith.muli %mul3A_374, %scan3A_26 : i32
        %add3A_376 = arith.constant 1 : i32
        %add3A_377 = arith.addi %mul3A_375, %add3A_376 : i32
        %get3A_378 = arith.index_cast %add3A_377 : i32 to index
        %get3A_379 = arith.constant 160 : index
        %get3A_380 = tpu.vector_load %arg8[%get3A_378, %get3A_379] {strides = array<i32>} : memref<96x256xf32, #tpu.memory_space<vmem>>, vector<1x16xf32>,
        %get3A_381 = vector.shape_cast %get3A_380 : vector<1x16xf32> to vector<16xf32>
        %mul3A_382 = arith.mulf %get3A_381, %get3A_39 : vector<16xf32>
        %add3A_383 = arith.addf %mul3A_373, %mul3A_382 : vector<16xf32>
        %mul3A_384 = arith.constant 3 : i32
        %mul3A_385 = arith.muli %mul3A_384, %scan3A_26 : i32
        %add3A_386 = arith.constant 2 : i32
        %add3A_387 = arith.addi %mul3A_385, %add3A_386 : i32
        %get3A_388 = arith.index_cast %add3A_387 : i32 to index
        %get3A_389 = arith.constant 160 : index
        %get3A_390 = tpu.vector_load %arg8[%get3A_388, %get3A_389] {strides = array<i32>} : memref<96x256xf32, #tpu.memory_space<vmem>>, vector<1x16xf32>,
        %get3A_391 = vector.shape_cast %get3A_390 : vector<1x16xf32> to vector<16xf32>
        %mul3A_392 = arith.mulf %get3A_391, %get3A_47 : vector<16xf32>
        %add3A_393 = arith.addf %add3A_383, %mul3A_392 : vector<16xf32>
        %swap3A_394 = arith.index_cast %scan3A_26 : i32 to index
        %swap3A_395 = arith.constant 160 : index
        %swap3A_396 = tpu.vector_load %arg9[%swap3A_394, %swap3A_395] {strides = array<i32>} : memref<32x256xf32, #tpu.memory_space<vmem>>, vector<1x16xf32>,
        %swap3A_397 = vector.shape_cast %swap3A_396 : vector<1x16xf32> to vector<16xf32>
        %swap3A_398 = vector.shape_cast %add3A_393 : vector<16xf32> to vector<1x16xf32>
        tpu.vector_store %arg9[%swap3A_394, %swap3A_395], %swap3A_398 {strides = array<i32>} : memref<32x256xf32, #tpu.memory_space<vmem>>, vector<1x16xf32>,
        %mul3A_399 = arith.constant 3 : i32
        %mul3A_400 = arith.muli %mul3A_399, %scan3A_26 : i32
        %get3A_401 = arith.index_cast %mul3A_400 : i32 to index
        %get3A_402 = arith.constant 176 : index
        %get3A_403 = tpu.vector_load %arg8[%get3A_401, %get3A_402] {strides = array<i32>} : memref<96x256xf32, #tpu.memory_space<vmem>>, vector<1x16xf32>,
        %get3A_404 = vector.shape_cast %get3A_403 : vector<1x16xf32> to vector<16xf32>
        %mul3A_405 = arith.mulf %get3A_404, %get3A_31 : vector<16xf32>
        %mul3A_406 = arith.constant 3 : i32
        %mul3A_407 = arith.muli %mul3A_406, %scan3A_26 : i32
        %add3A_408 = arith.constant 1 : i32
        %add3A_409 = arith.addi %mul3A_407, %add3A_408 : i32
        %get3A_410 = arith.index_cast %add3A_409 : i32 to index
        %get3A_411 = arith.constant 176 : index
        %get3A_412 = tpu.vector_load %arg8[%get3A_410, %get3A_411] {strides = array<i32>} : memref<96x256xf32, #tpu.memory_space<vmem>>, vector<1x16xf32>,
        %get3A_413 = vector.shape_cast %get3A_412 : vector<1x16xf32> to vector<16xf32>
        %mul3A_414 = arith.mulf %get3A_413, %get3A_39 : vector<16xf32>
        %add3A_415 = arith.addf %mul3A_405, %mul3A_414 : vector<16xf32>
        %mul3A_416 = arith.constant 3 : i32
        %mul3A_417 = arith.muli %mul3A_416, %scan3A_26 : i32
        %add3A_418 = arith.constant 2 : i32
        %add3A_419 = arith.addi %mul3A_417, %add3A_418 : i32
        %get3A_420 = arith.index_cast %add3A_419 : i32 to index
        %get3A_421 = arith.constant 176 : index
        %get3A_422 = tpu.vector_load %arg8[%get3A_420, %get3A_421] {strides = array<i32>} : memref<96x256xf32, #tpu.memory_space<vmem>>, vector<1x16xf32>,
        %get3A_423 = vector.shape_cast %get3A_422 : vector<1x16xf32> to vector<16xf32>
        %mul3A_424 = arith.mulf %get3A_423, %get3A_47 : vector<16xf32>
        %add3A_425 = arith.addf %add3A_415, %mul3A_424 : vector<16xf32>
        %swap3A_426 = arith.index_cast %scan3A_26 : i32 to index
        %swap3A_427 = arith.constant 176 : index
        %swap3A_428 = tpu.vector_load %arg9[%swap3A_426, %swap3A_427] {strides = array<i32>} : memref<32x256xf32, #tpu.memory_space<vmem>>, vector<1x16xf32>,
        %swap3A_429 = vector.shape_cast %swap3A_428 : vector<1x16xf32> to vector<16xf32>
        %swap3A_430 = vector.shape_cast %add3A_425 : vector<16xf32> to vector<1x16xf32>
        tpu.vector_store %arg9[%swap3A_426, %swap3A_427], %swap3A_430 {strides = array<i32>} : memref<32x256xf32, #tpu.memory_space<vmem>>, vector<1x16xf32>,
        %mul3A_431 = arith.constant 3 : i32
        %mul3A_432 = arith.muli %mul3A_431, %scan3A_26 : i32
        %get3A_433 = arith.index_cast %mul3A_432 : i32 to index
        %get3A_434 = arith.constant 192 : index
        %get3A_435 = tpu.vector_load %arg8[%get3A_433, %get3A_434] {strides = array<i32>} : memref<96x256xf32, #tpu.memory_space<vmem>>, vector<1x16xf32>,
        %get3A_436 = vector.shape_cast %get3A_435 : vector<1x16xf32> to vector<16xf32>
        %mul3A_437 = arith.mulf %get3A_436, %get3A_31 : vector<16xf32>
        %mul3A_438 = arith.constant 3 : i32
        %mul3A_439 = arith.muli %mul3A_438, %scan3A_26 : i32
        %add3A_440 = arith.constant 1 : i32
        %add3A_441 = arith.addi %mul3A_439, %add3A_440 : i32
        %get3A_442 = arith.index_cast %add3A_441 : i32 to index
        %get3A_443 = arith.constant 192 : index
        %get3A_444 = tpu.vector_load %arg8[%get3A_442, %get3A_443] {strides = array<i32>} : memref<96x256xf32, #tpu.memory_space<vmem>>, vector<1x16xf32>,
        %get3A_445 = vector.shape_cast %get3A_444 : vector<1x16xf32> to vector<16xf32>
        %mul3A_446 = arith.mulf %get3A_445, %get3A_39 : vector<16xf32>
        %add3A_447 = arith.addf %mul3A_437, %mul3A_446 : vector<16xf32>
        %mul3A_448 = arith.constant 3 : i32
        %mul3A_449 = arith.muli %mul3A_448, %scan3A_26 : i32
        %add3A_450 = arith.constant 2 : i32
        %add3A_451 = arith.addi %mul3A_449, %add3A_450 : i32
        %get3A_452 = arith.index_cast %add3A_451 : i32 to index
        %get3A_453 = arith.constant 192 : index
        %get3A_454 = tpu.vector_load %arg8[%get3A_452, %get3A_453] {strides = array<i32>} : memref<96x256xf32, #tpu.memory_space<vmem>>, vector<1x16xf32>,
        %get3A_455 = vector.shape_cast %get3A_454 : vector<1x16xf32> to vector<16xf32>
        %mul3A_456 = arith.mulf %get3A_455, %get3A_47 : vector<16xf32>
        %add3A_457 = arith.addf %add3A_447, %mul3A_456 : vector<16xf32>
        %swap3A_458 = arith.index_cast %scan3A_26 : i32 to index
        %swap3A_459 = arith.constant 192 : index
        %swap3A_460 = tpu.vector_load %arg9[%swap3A_458, %swap3A_459] {strides = array<i32>} : memref<32x256xf32, #tpu.memory_space<vmem>>, vector<1x16xf32>,
        %swap3A_461 = vector.shape_cast %swap3A_460 : vector<1x16xf32> to vector<16xf32>
        %swap3A_462 = vector.shape_cast %add3A_457 : vector<16xf32> to vector<1x16xf32>
        tpu.vector_store %arg9[%swap3A_458, %swap3A_459], %swap3A_462 {strides = array<i32>} : memref<32x256xf32, #tpu.memory_space<vmem>>, vector<1x16xf32>,
        %mul3A_463 = arith.constant 3 : i32
        %mul3A_464 = arith.muli %mul3A_463, %scan3A_26 : i32
        %get3A_465 = arith.index_cast %mul3A_464 : i32 to index
        %get3A_466 = arith.constant 208 : index
        %get3A_467 = tpu.vector_load %arg8[%get3A_465, %get3A_466] {strides = array<i32>} : memref<96x256xf32, #tpu.memory_space<vmem>>, vector<1x16xf32>,
        %get3A_468 = vector.shape_cast %get3A_467 : vector<1x16xf32> to vector<16xf32>
        %mul3A_469 = arith.mulf %get3A_468, %get3A_31 : vector<16xf32>
        %mul3A_470 = arith.constant 3 : i32
        %mul3A_471 = arith.muli %mul3A_470, %scan3A_26 : i32
        %add3A_472 = arith.constant 1 : i32
        %add3A_473 = arith.addi %mul3A_471, %add3A_472 : i32
        %get3A_474 = arith.index_cast %add3A_473 : i32 to index
        %get3A_475 = arith.constant 208 : index
        %get3A_476 = tpu.vector_load %arg8[%get3A_474, %get3A_475] {strides = array<i32>} : memref<96x256xf32, #tpu.memory_space<vmem>>, vector<1x16xf32>,
        %get3A_477 = vector.shape_cast %get3A_476 : vector<1x16xf32> to vector<16xf32>
        %mul3A_478 = arith.mulf %get3A_477, %get3A_39 : vector<16xf32>
        %add3A_479 = arith.addf %mul3A_469, %mul3A_478 : vector<16xf32>
        %mul3A_480 = arith.constant 3 : i32
        %mul3A_481 = arith.muli %mul3A_480, %scan3A_26 : i32
        %add3A_482 = arith.constant 2 : i32
        %add3A_483 = arith.addi %mul3A_481, %add3A_482 : i32
        %get3A_484 = arith.index_cast %add3A_483 : i32 to index
        %get3A_485 = arith.constant 208 : index
        %get3A_486 = tpu.vector_load %arg8[%get3A_484, %get3A_485] {strides = array<i32>} : memref<96x256xf32, #tpu.memory_space<vmem>>, vector<1x16xf32>,
        %get3A_487 = vector.shape_cast %get3A_486 : vector<1x16xf32> to vector<16xf32>
        %mul3A_488 = arith.mulf %get3A_487, %get3A_47 : vector<16xf32>
        %add3A_489 = arith.addf %add3A_479, %mul3A_488 : vector<16xf32>
        %swap3A_490 = arith.index_cast %scan3A_26 : i32 to index
        %swap3A_491 = arith.constant 208 : index
        %swap3A_492 = tpu.vector_load %arg9[%swap3A_490, %swap3A_491] {strides = array<i32>} : memref<32x256xf32, #tpu.memory_space<vmem>>, vector<1x16xf32>,
        %swap3A_493 = vector.shape_cast %swap3A_492 : vector<1x16xf32> to vector<16xf32>
        %swap3A_494 = vector.shape_cast %add3A_489 : vector<16xf32> to vector<1x16xf32>
        tpu.vector_store %arg9[%swap3A_490, %swap3A_491], %swap3A_494 {strides = array<i32>} : memref<32x256xf32, #tpu.memory_space<vmem>>, vector<1x16xf32>,
        %mul3A_495 = arith.constant 3 : i32
        %mul3A_496 = arith.muli %mul3A_495, %scan3A_26 : i32
        %get3A_497 = arith.index_cast %mul3A_496 : i32 to index
        %get3A_498 = arith.constant 224 : index
        %get3A_499 = tpu.vector_load %arg8[%get3A_497, %get3A_498] {strides = array<i32>} : memref<96x256xf32, #tpu.memory_space<vmem>>, vector<1x16xf32>,
        %get3A_500 = vector.shape_cast %get3A_499 : vector<1x16xf32> to vector<16xf32>
        %mul3A_501 = arith.mulf %get3A_500, %get3A_31 : vector<16xf32>
        %mul3A_502 = arith.constant 3 : i32
        %mul3A_503 = arith.muli %mul3A_502, %scan3A_26 : i32
        %add3A_504 = arith.constant 1 : i32
        %add3A_505 = arith.addi %mul3A_503, %add3A_504 : i32
        %get3A_506 = arith.index_cast %add3A_505 : i32 to index
        %get3A_507 = arith.constant 224 : index
        %get3A_508 = tpu.vector_load %arg8[%get3A_506, %get3A_507] {strides = array<i32>} : memref<96x256xf32, #tpu.memory_space<vmem>>, vector<1x16xf32>,
        %get3A_509 = vector.shape_cast %get3A_508 : vector<1x16xf32> to vector<16xf32>
        %mul3A_510 = arith.mulf %get3A_509, %get3A_39 : vector<16xf32>
        %add3A_511 = arith.addf %mul3A_501, %mul3A_510 : vector<16xf32>
        %mul3A_512 = arith.constant 3 : i32
        %mul3A_513 = arith.muli %mul3A_512, %scan3A_26 : i32
        %add3A_514 = arith.constant 2 : i32
        %add3A_515 = arith.addi %mul3A_513, %add3A_514 : i32
        %get3A_516 = arith.index_cast %add3A_515 : i32 to index
        %get3A_517 = arith.constant 224 : index
        %get3A_518 = tpu.vector_load %arg8[%get3A_516, %get3A_517] {strides = array<i32>} : memref<96x256xf32, #tpu.memory_space<vmem>>, vector<1x16xf32>,
        %get3A_519 = vector.shape_cast %get3A_518 : vector<1x16xf32> to vector<16xf32>
        %mul3A_520 = arith.mulf %get3A_519, %get3A_47 : vector<16xf32>
        %add3A_521 = arith.addf %add3A_511, %mul3A_520 : vector<16xf32>
        %swap3A_522 = arith.index_cast %scan3A_26 : i32 to index
        %swap3A_523 = arith.constant 224 : index
        %swap3A_524 = tpu.vector_load %arg9[%swap3A_522, %swap3A_523] {strides = array<i32>} : memref<32x256xf32, #tpu.memory_space<vmem>>, vector<1x16xf32>,
        %swap3A_525 = vector.shape_cast %swap3A_524 : vector<1x16xf32> to vector<16xf32>
        %swap3A_526 = vector.shape_cast %add3A_521 : vector<16xf32> to vector<1x16xf32>
        tpu.vector_store %arg9[%swap3A_522, %swap3A_523], %swap3A_526 {strides = array<i32>} : memref<32x256xf32, #tpu.memory_space<vmem>>, vector<1x16xf32>,
        %mul3A_527 = arith.constant 3 : i32
        %mul3A_528 = arith.muli %mul3A_527, %scan3A_26 : i32
        %get3A_529 = arith.index_cast %mul3A_528 : i32 to index
        %get3A_530 = arith.constant 240 : index
        %get3A_531 = tpu.vector_load %arg8[%get3A_529, %get3A_530] {strides = array<i32>} : memref<96x256xf32, #tpu.memory_space<vmem>>, vector<1x16xf32>,
        %get3A_532 = vector.shape_cast %get3A_531 : vector<1x16xf32> to vector<16xf32>
        %mul3A_533 = arith.mulf %get3A_532, %get3A_31 : vector<16xf32>
        %mul3A_534 = arith.constant 3 : i32
        %mul3A_535 = arith.muli %mul3A_534, %scan3A_26 : i32
        %add3A_536 = arith.constant 1 : i32
        %add3A_537 = arith.addi %mul3A_535, %add3A_536 : i32
        %get3A_538 = arith.index_cast %add3A_537 : i32 to index
        %get3A_539 = arith.constant 240 : index
        %get3A_540 = tpu.vector_load %arg8[%get3A_538, %get3A_539] {strides = array<i32>} : memref<96x256xf32, #tpu.memory_space<vmem>>, vector<1x16xf32>,
        %get3A_541 = vector.shape_cast %get3A_540 : vector<1x16xf32> to vector<16xf32>
        %mul3A_542 = arith.mulf %get3A_541, %get3A_39 : vector<16xf32>
        %add3A_543 = arith.addf %mul3A_533, %mul3A_542 : vector<16xf32>
        %mul3A_544 = arith.constant 3 : i32
        %mul3A_545 = arith.muli %mul3A_544, %scan3A_26 : i32
        %add3A_546 = arith.constant 2 : i32
        %add3A_547 = arith.addi %mul3A_545, %add3A_546 : i32
        %get3A_548 = arith.index_cast %add3A_547 : i32 to index
        %get3A_549 = arith.constant 240 : index
        %get3A_550 = tpu.vector_load %arg8[%get3A_548, %get3A_549] {strides = array<i32>} : memref<96x256xf32, #tpu.memory_space<vmem>>, vector<1x16xf32>,
        %get3A_551 = vector.shape_cast %get3A_550 : vector<1x16xf32> to vector<16xf32>
        %mul3A_552 = arith.mulf %get3A_551, %get3A_47 : vector<16xf32>
        %add3A_553 = arith.addf %add3A_543, %mul3A_552 : vector<16xf32>
        %swap3A_554 = arith.index_cast %scan3A_26 : i32 to index
        %swap3A_555 = arith.constant 240 : index
        %swap3A_556 = tpu.vector_load %arg9[%swap3A_554, %swap3A_555] {strides = array<i32>} : memref<32x256xf32, #tpu.memory_space<vmem>>, vector<1x16xf32>,
        %swap3A_557 = vector.shape_cast %swap3A_556 : vector<1x16xf32> to vector<16xf32>
        %swap3A_558 = vector.shape_cast %add3A_553 : vector<16xf32> to vector<1x16xf32>
        tpu.vector_store %arg9[%swap3A_554, %swap3A_555], %swap3A_558 {strides = array<i32>} : memref<32x256xf32, #tpu.memory_space<vmem>>, vector<1x16xf32>,
      }
      %scan3A_25 = arith.constant 32 : i32
      "tpu.region"() ({
        %run_scoped3A = tpu.sem_alloc : memref<!tpu.dma_semaphore, #tpu.memory_space<semaphore_mem>>
        %dma_start3A_26 = arith.constant 0 : i32
        %dma_start3A_27 = tpu.memref_slice %arg5[%add3A_11, %dma_start3A_26] : memref<65536x256xf32, #tpu.memory_space<hbm>> -> memref<32x256xf32, #tpu.memory_space<hbm>>
        %dma_start3A_28 = arith.constant 0 : i32
        %dma_start3A_29 = tpu.memref_slice %arg5[%add3A_11, %dma_start3A_28] : memref<65536x256xf32, #tpu.memory_space<hbm>> -> memref<32x256xf32, #tpu.memory_space<hbm>>
        tpu.enqueue_dma source(%arg9 : memref<32x256xf32, #tpu.memory_space<vmem>>) target(%dma_start3A_29 : memref<32x256xf32, #tpu.memory_space<hbm>>) target_semaphore(%run_scoped3A : memref<!tpu.dma_semaphore, #tpu.memory_space<semaphore_mem>>)
        %dma_wait3A_30 = arith.constant 0 : i32
        %dma_wait3A_31 = tpu.memref_slice %arg5[%add3A_11, %dma_wait3A_30] : memref<65536x256xf32, #tpu.memory_space<hbm>> -> memref<32x256xf32, #tpu.memory_space<hbm>>
        %dma_wait3A_32 = arith.constant 0 : i32
        %dma_wait3A_33 = tpu.memref_slice %arg5[%add3A_11, %dma_wait3A_32] : memref<65536x256xf32, #tpu.memory_space<hbm>> -> memref<32x256xf32, #tpu.memory_space<hbm>>
        tpu.wait_dma2 semaphore(%run_scoped3A : memref<!tpu.dma_semaphore, #tpu.memory_space<semaphore_mem>>) src(%arg9 : memref<32x256xf32, #tpu.memory_space<vmem>>) dst(%dma_wait3A_33 : memref<32x256xf32, #tpu.memory_space<hbm>>)
        tpu.yield
      }) : () -> ()
    }
    %scan3A_5 = arith.constant 64 : i32
    return
  }
}

module attributes {stable_mosaic.version = 14 : i64} {
  func.func @_g_kernel(%arg0: i32, %arg1: memref<1x1024x512xf32, #tpu.memory_space<vmem>>, %arg2: memref<512x256xf32, #tpu.memory_space<vmem>>, %arg3: memref<1x1024x256xf32, #tpu.memory_space<vmem>>) attributes {dimension_semantics = [#tpu.dimension_semantics<arbitrary>], iteration_bounds = array<i64: 16>, scalar_prefetch = 0 : i64, scratch_operands = 0 : i64, tpu.core_type = #tpu.core_type<tc>, window_params = [{transform_indices = @transform_0, window_bounds = array<i64: 1, 1024, 512>}, {pipeline_mode = #tpu.pipeline_mode<synchronous>, transform_indices = @transform_1, window_bounds = array<i64: 512, 256>}, {transform_indices = @transform_2, window_bounds = array<i64: 1, 1024, 256>}]} {
    %get3A = arith.constant 0 : index
    %get3A_0 = arith.constant 0 : index
    %get3A_1 = arith.constant 0 : index
    %get3A_2 = vector.load %arg1[%get3A, %get3A_0, %get3A_1] : memref<1x1024x512xf32, #tpu.memory_space<vmem>>, vector<1x1024x512xf32>
    %get3A_3 = vector.shape_cast %get3A_2 : vector<1x1024x512xf32> to vector<1024x512xf32>
    %get3A_4 = arith.constant 0 : index
    %get3A_5 = arith.constant 0 : index
    %get3A_6 = vector.load %arg2[%get3A_4, %get3A_5] : memref<512x256xf32, #tpu.memory_space<vmem>>, vector<512x256xf32>
    %dot_general3A = arith.constant dense<0.000000e+00> : vector<1024x256xf32>
    %dot_general3A_7 = tpu.matmul %get3A_3, %get3A_6, %dot_general3A {dimension_numbers = #tpu.dot_dimension_numbers<[1], [0], [0], [1], [0, 0, 1, 1], [], []>, transpose_lhs_hint = false} : vector<1024x512xf32>, vector<512x256xf32>, vector<1024x256xf32> -> vector<1024x256xf32>
    %swap3A = arith.constant 0 : index
    %swap3A_8 = arith.constant 0 : index
    %swap3A_9 = arith.constant 0 : index
    %swap3A_10 = vector.load %arg3[%swap3A, %swap3A_8, %swap3A_9] : memref<1x1024x256xf32, #tpu.memory_space<vmem>>, vector<1x1024x256xf32>
    %swap3A_11 = vector.shape_cast %swap3A_10 : vector<1x1024x256xf32> to vector<1024x256xf32>
    %swap3A_12 = vector.shape_cast %dot_general3A_7 : vector<1024x256xf32> to vector<1x1024x256xf32>
    tpu.vector_store %arg3[%swap3A, %swap3A_8, %swap3A_9], %swap3A_12 {strides = array<i32>} : memref<1x1024x256xf32, #tpu.memory_space<vmem>>, vector<1x1024x256xf32>,
    return
  }
  func.func @transform_0(%arg0: i32) -> (i32, i32, i32) {
    %c0_i32 = arith.constant 0 : i32
    %c0_i32_0 = arith.constant 0 : i32
    %c0_i32_1 = arith.constant 0 : i32
    return %arg0, %c0_i32, %c0_i32_0 : i32, i32, i32
  }
  func.func @transform_1(%arg0: i32) -> (i32, i32) {
    %c0_i32 = arith.constant 0 : i32
    %c0_i32_0 = arith.constant 0 : i32
    %c0_i32_1 = arith.constant 0 : i32
    return %c0_i32, %c0_i32_0 : i32, i32
  }
  func.func @transform_2(%arg0: i32) -> (i32, i32, i32) {
    %c0_i32 = arith.constant 0 : i32
    %c0_i32_0 = arith.constant 0 : i32
    %c0_i32_1 = arith.constant 0 : i32
    return %arg0, %c0_i32, %c0_i32_0 : i32, i32, i32
  }
}

module attributes {stable_mosaic.version = 14 : i64} {
  func.func @_nn_kernel(%arg0: i32, %arg1: i32, %arg2: memref<1x1024x3xf32, #tpu.memory_space<vmem>>, %arg3: memref<1x3x1024xf32, #tpu.memory_space<vmem>>, %arg4: memref<1x1024x3xi32, #tpu.memory_space<vmem>>, %arg5: memref<1x1024x48xf32, #tpu.memory_space<vmem>>) attributes {dimension_semantics = [#tpu.dimension_semantics<arbitrary>, #tpu.dimension_semantics<arbitrary>], iteration_bounds = array<i64: 16, 4>, scalar_prefetch = 0 : i64, scratch_operands = 0 : i64, tpu.core_type = #tpu.core_type<tc>, window_params = [{transform_indices = @transform_0, window_bounds = array<i64: 1, 1024, 3>}, {transform_indices = @transform_1, window_bounds = array<i64: 1, 3, 1024>}, {transform_indices = @transform_2, window_bounds = array<i64: 1, 1024, 3>}, {transform_indices = @transform_3, window_bounds = array<i64: 1, 1024, 48>}]} {
    %get3A = arith.constant 0 : index
    %get3A_0 = arith.constant 0 : index
    %get3A_1 = arith.constant 0 : index
    %get3A_2 = vector.load %arg2[%get3A, %get3A_0, %get3A_1] : memref<1x1024x3xf32, #tpu.memory_space<vmem>>, vector<1x1024x3xf32>
    %get3A_3 = vector.shape_cast %get3A_2 : vector<1x1024x3xf32> to vector<1024x3xf32>
    %get3A_4 = arith.constant 0 : index
    %get3A_5 = arith.constant 0 : index
    %get3A_6 = arith.constant 0 : index
    %get3A_7 = vector.load %arg3[%get3A_4, %get3A_5, %get3A_6] : memref<1x3x1024xf32, #tpu.memory_space<vmem>>, vector<1x3x1024xf32>
    %get3A_8 = vector.shape_cast %get3A_7 : vector<1x3x1024xf32> to vector<3x1024xf32>
    %slice3A = vector.extract_strided_slice %get3A_3 {offsets = [0, 0], sizes = [1024, 1], strides = [1, 1]} : vector<1024x3xf32> to vector<1024x1xf32>
    %slice3A_9 = vector.extract_strided_slice %get3A_8 {offsets = [0, 0], sizes = [1, 1024], strides = [1, 1]} : vector<3x1024xf32> to vector<1x1024xf32>
    %sub3A = vector.broadcast %slice3A : vector<1024x1xf32> to vector<1024x1024xf32>
    %sub3A_10 = vector.broadcast %slice3A_9 : vector<1x1024xf32> to vector<1024x1024xf32>
    %sub3A_11 = arith.subf %sub3A, %sub3A_10 : vector<1024x1024xf32>
    %mul3A = arith.mulf %sub3A_11, %sub3A_11 : vector<1024x1024xf32>
    %slice3A_12 = vector.extract_strided_slice %get3A_3 {offsets = [0, 1], sizes = [1024, 1], strides = [1, 1]} : vector<1024x3xf32> to vector<1024x1xf32>
    %slice3A_13 = vector.extract_strided_slice %get3A_8 {offsets = [1, 0], sizes = [1, 1024], strides = [1, 1]} : vector<3x1024xf32> to vector<1x1024xf32>
    %sub3A_14 = vector.broadcast %slice3A_12 : vector<1024x1xf32> to vector<1024x1024xf32>
    %sub3A_15 = vector.broadcast %slice3A_13 : vector<1x1024xf32> to vector<1024x1024xf32>
    %sub3A_16 = arith.subf %sub3A_14, %sub3A_15 : vector<1024x1024xf32>
    %mul3A_17 = arith.mulf %sub3A_16, %sub3A_16 : vector<1024x1024xf32>
    %add3A = arith.addf %mul3A, %mul3A_17 : vector<1024x1024xf32>
    %slice3A_18 = vector.extract_strided_slice %get3A_3 {offsets = [0, 2], sizes = [1024, 1], strides = [1, 1]} : vector<1024x3xf32> to vector<1024x1xf32>
    %slice3A_19 = vector.extract_strided_slice %get3A_8 {offsets = [2, 0], sizes = [1, 1024], strides = [1, 1]} : vector<3x1024xf32> to vector<1x1024xf32>
    %sub3A_20 = vector.broadcast %slice3A_18 : vector<1024x1xf32> to vector<1024x1024xf32>
    %sub3A_21 = vector.broadcast %slice3A_19 : vector<1x1024xf32> to vector<1024x1024xf32>
    %sub3A_22 = arith.subf %sub3A_20, %sub3A_21 : vector<1024x1024xf32>
    %mul3A_23 = arith.mulf %sub3A_22, %sub3A_22 : vector<1024x1024xf32>
    %add3A_24 = arith.addf %add3A, %mul3A_23 : vector<1024x1024xf32>
    %reduce_min3A = arith.constant dense<0x7F800000> : vector<1024xf32>
    %reduce_min3A_25 = vector.multi_reduction <minimumf>, %add3A_24, %reduce_min3A [1] : vector<1024x1024xf32> to vector<1024xf32>
    %broadcast_in_dim3A = vector.shape_cast %reduce_min3A_25 : vector<1024xf32> to vector<1024x1xf32>
    %eq3A = vector.broadcast %broadcast_in_dim3A : vector<1024x1xf32> to vector<1024x1024xf32>
    %eq3A_26 = arith.cmpf oeq, %add3A_24, %eq3A : vector<1024x1024xf32>
    %jit3A = arith.constant 0x7F800000 : f32
    %broadcast_in_dim3A_27 = vector.broadcast %jit3A : f32 to vector<1024x1024xf32>
    %select_n3A = arith.select %eq3A_26, %broadcast_in_dim3A_27, %add3A_24 : vector<1024x1024xi1>, vector<1024x1024xf32>
    %max3A = arith.constant 9.99999968E-21 : f32
    %max3A_28 = vector.broadcast %max3A : f32 to vector<1024x1xf32>
    %max3A_29 = arith.maximumf %broadcast_in_dim3A, %max3A_28 : vector<1024x1xf32>
    %rsqrt3A = math.rsqrt %max3A_29 : vector<1024x1xf32>
    %reduce_min3A_30 = arith.constant dense<0x7F800000> : vector<1024xf32>
    %reduce_min3A_31 = vector.multi_reduction <minimumf>, %select_n3A, %reduce_min3A_30 [1] : vector<1024x1024xf32> to vector<1024xf32>
    %broadcast_in_dim3A_32 = vector.shape_cast %reduce_min3A_31 : vector<1024xf32> to vector<1024x1xf32>
    %eq3A_33 = vector.broadcast %broadcast_in_dim3A_32 : vector<1024x1xf32> to vector<1024x1024xf32>
    %eq3A_34 = arith.cmpf oeq, %select_n3A, %eq3A_33 : vector<1024x1024xf32>
    %jit3A_35 = arith.constant 0x7F800000 : f32
    %broadcast_in_dim3A_36 = vector.broadcast %jit3A_35 : f32 to vector<1024x1024xf32>
    %select_n3A_37 = arith.select %eq3A_34, %broadcast_in_dim3A_36, %select_n3A : vector<1024x1024xi1>, vector<1024x1024xf32>
    %max3A_38 = arith.constant 9.99999968E-21 : f32
    %max3A_39 = vector.broadcast %max3A_38 : f32 to vector<1024x1xf32>
    %max3A_40 = arith.maximumf %broadcast_in_dim3A_32, %max3A_39 : vector<1024x1xf32>
    %rsqrt3A_41 = math.rsqrt %max3A_40 : vector<1024x1xf32>
    %reduce_min3A_42 = arith.constant dense<0x7F800000> : vector<1024xf32>
    %reduce_min3A_43 = vector.multi_reduction <minimumf>, %select_n3A_37, %reduce_min3A_42 [1] : vector<1024x1024xf32> to vector<1024xf32>
    %broadcast_in_dim3A_44 = vector.shape_cast %reduce_min3A_43 : vector<1024xf32> to vector<1024x1xf32>
    %eq3A_45 = vector.broadcast %broadcast_in_dim3A_44 : vector<1024x1xf32> to vector<1024x1024xf32>
    %eq3A_46 = arith.cmpf oeq, %select_n3A_37, %eq3A_45 : vector<1024x1024xf32>
    %max3A_47 = arith.constant 9.99999968E-21 : f32
    %max3A_48 = vector.broadcast %max3A_47 : f32 to vector<1024x1xf32>
    %max3A_49 = arith.maximumf %broadcast_in_dim3A_44, %max3A_48 : vector<1024x1xf32>
    %rsqrt3A_50 = math.rsqrt %max3A_49 : vector<1024x1xf32>
    %add3A_51 = arith.addf %rsqrt3A, %rsqrt3A_41 : vector<1024x1xf32>
    %add3A_52 = arith.addf %add3A_51, %rsqrt3A_50 : vector<1024x1xf32>
    %div3A = arith.constant 1.000000e+00 : f32
    %div3A_53 = vector.broadcast %div3A : f32 to vector<1024x1xf32>
    %div3A_54 = arith.divf %div3A_53, %add3A_52 : vector<1024x1xf32>
    %add3A_55 = arith.addf %rsqrt3A, %rsqrt3A_41 : vector<1024x1xf32>
    %add3A_56 = arith.addf %add3A_55, %rsqrt3A_50 : vector<1024x1xf32>
    %mul3A_57 = arith.mulf %add3A_56, %div3A_54 : vector<1024x1xf32>
    %add3A_58 = arith.constant 9.99999997E-7 : f32
    %add3A_59 = vector.broadcast %add3A_58 : f32 to vector<1024x1xf32>
    %add3A_60 = arith.addf %mul3A_57, %add3A_59 : vector<1024x1xf32>
    %div3A_61 = arith.divf %div3A_54, %add3A_60 : vector<1024x1xf32>
    %iota3A = tpu.iota {dimensions = array<i32: 1>} : vector<1024x1024xi32>
    %jit3A_62 = arith.constant 0 : i32
    %broadcast_in_dim3A_63 = vector.broadcast %jit3A_62 : i32 to vector<1024x1024xi32>
    %select_n3A_64 = arith.select %eq3A_26, %iota3A, %broadcast_in_dim3A_63 : vector<1024x1024xi1>, vector<1024x1024xi32>
    %reduce_max3A = arith.constant dense<-2147483648> : vector<1024xi32>
    %reduce_max3A_65 = vector.multi_reduction <maxsi>, %select_n3A_64, %reduce_max3A [1] : vector<1024x1024xi32> to vector<1024xi32>
    %broadcast_in_dim3A_66 = vector.shape_cast %reduce_max3A_65 : vector<1024xi32> to vector<1024x1xi32>
    %mul3A_67 = arith.constant 1024 : i32
    %mul3A_68 = arith.muli %arg0, %mul3A_67 : i32
    %add3A_69 = vector.broadcast %mul3A_68 : i32 to vector<1024x1xi32>
    %add3A_70 = arith.addi %broadcast_in_dim3A_66, %add3A_69 : vector<1024x1xi32>
    %swap3A = arith.constant 0 : index
    %swap3A_71 = arith.constant 0 : index
    %swap3A_72 = arith.constant 0 : index
    %swap3A_73 = vector.load %arg4[%swap3A, %swap3A_71, %swap3A_72] : memref<1x1024x3xi32, #tpu.memory_space<vmem>>, vector<1x1024x1xi32>
    %swap3A_74 = vector.shape_cast %swap3A_73 : vector<1x1024x1xi32> to vector<1024x1xi32>
    %swap3A_75 = vector.shape_cast %add3A_70 : vector<1024x1xi32> to vector<1x1024x1xi32>
    tpu.vector_store %arg4[%swap3A, %swap3A_71, %swap3A_72], %swap3A_75 {strides = array<i32>} : memref<1x1024x3xi32, #tpu.memory_space<vmem>>, vector<1x1024x1xi32>,
    %mul3A_76 = arith.mulf %rsqrt3A, %div3A_61 : vector<1024x1xf32>
    %broadcast_in_dim3A_77 = vector.shape_cast %mul3A_76 : vector<1024x1xf32> to vector<1024x1xf32>
    %broadcast_in_dim3A_78 = vector.broadcast %broadcast_in_dim3A_77 : vector<1024x1xf32> to vector<1024x16xf32>
    %swap3A_79 = arith.constant 0 : index
    %swap3A_80 = arith.constant 0 : index
    %swap3A_81 = arith.constant 0 : index
    %swap3A_82 = vector.load %arg5[%swap3A_79, %swap3A_80, %swap3A_81] : memref<1x1024x48xf32, #tpu.memory_space<vmem>>, vector<1x1024x16xf32>
    %swap3A_83 = vector.shape_cast %swap3A_82 : vector<1x1024x16xf32> to vector<1024x16xf32>
    %swap3A_84 = vector.shape_cast %broadcast_in_dim3A_78 : vector<1024x16xf32> to vector<1x1024x16xf32>
    tpu.vector_store %arg5[%swap3A_79, %swap3A_80, %swap3A_81], %swap3A_84 {strides = array<i32>} : memref<1x1024x48xf32, #tpu.memory_space<vmem>>, vector<1x1024x16xf32>,
    %jit3A_85 = arith.constant 0 : i32
    %broadcast_in_dim3A_86 = vector.broadcast %jit3A_85 : i32 to vector<1024x1024xi32>
    %select_n3A_87 = arith.select %eq3A_34, %iota3A, %broadcast_in_dim3A_86 : vector<1024x1024xi1>, vector<1024x1024xi32>
    %reduce_max3A_88 = arith.constant dense<-2147483648> : vector<1024xi32>
    %reduce_max3A_89 = vector.multi_reduction <maxsi>, %select_n3A_87, %reduce_max3A_88 [1] : vector<1024x1024xi32> to vector<1024xi32>
    %broadcast_in_dim3A_90 = vector.shape_cast %reduce_max3A_89 : vector<1024xi32> to vector<1024x1xi32>
    %mul3A_91 = arith.constant 1024 : i32
    %mul3A_92 = arith.muli %arg0, %mul3A_91 : i32
    %add3A_93 = vector.broadcast %mul3A_92 : i32 to vector<1024x1xi32>
    %add3A_94 = arith.addi %broadcast_in_dim3A_90, %add3A_93 : vector<1024x1xi32>
    %swap3A_95 = arith.constant 0 : index
    %swap3A_96 = arith.constant 0 : index
    %swap3A_97 = arith.constant 1 : index
    %swap3A_98 = vector.load %arg4[%swap3A_95, %swap3A_96, %swap3A_97] : memref<1x1024x3xi32, #tpu.memory_space<vmem>>, vector<1x1024x1xi32>
    %swap3A_99 = vector.shape_cast %swap3A_98 : vector<1x1024x1xi32> to vector<1024x1xi32>
    %swap3A_100 = vector.shape_cast %add3A_94 : vector<1024x1xi32> to vector<1x1024x1xi32>
    tpu.vector_store %arg4[%swap3A_95, %swap3A_96, %swap3A_97], %swap3A_100 {strides = array<i32>} : memref<1x1024x3xi32, #tpu.memory_space<vmem>>, vector<1x1024x1xi32>,
    %mul3A_101 = arith.mulf %rsqrt3A_41, %div3A_61 : vector<1024x1xf32>
    %broadcast_in_dim3A_102 = vector.shape_cast %mul3A_101 : vector<1024x1xf32> to vector<1024x1xf32>
    %broadcast_in_dim3A_103 = vector.broadcast %broadcast_in_dim3A_102 : vector<1024x1xf32> to vector<1024x16xf32>
    %swap3A_104 = arith.constant 0 : index
    %swap3A_105 = arith.constant 0 : index
    %swap3A_106 = arith.constant 16 : index
    %swap3A_107 = vector.load %arg5[%swap3A_104, %swap3A_105, %swap3A_106] : memref<1x1024x48xf32, #tpu.memory_space<vmem>>, vector<1x1024x16xf32>
    %swap3A_108 = vector.shape_cast %swap3A_107 : vector<1x1024x16xf32> to vector<1024x16xf32>
    %swap3A_109 = vector.shape_cast %broadcast_in_dim3A_103 : vector<1024x16xf32> to vector<1x1024x16xf32>
    tpu.vector_store %arg5[%swap3A_104, %swap3A_105, %swap3A_106], %swap3A_109 {strides = array<i32>} : memref<1x1024x48xf32, #tpu.memory_space<vmem>>, vector<1x1024x16xf32>,
    %jit3A_110 = arith.constant 0 : i32
    %broadcast_in_dim3A_111 = vector.broadcast %jit3A_110 : i32 to vector<1024x1024xi32>
    %select_n3A_112 = arith.select %eq3A_46, %iota3A, %broadcast_in_dim3A_111 : vector<1024x1024xi1>, vector<1024x1024xi32>
    %reduce_max3A_113 = arith.constant dense<-2147483648> : vector<1024xi32>
    %reduce_max3A_114 = vector.multi_reduction <maxsi>, %select_n3A_112, %reduce_max3A_113 [1] : vector<1024x1024xi32> to vector<1024xi32>
    %broadcast_in_dim3A_115 = vector.shape_cast %reduce_max3A_114 : vector<1024xi32> to vector<1024x1xi32>
    %mul3A_116 = arith.constant 1024 : i32
    %mul3A_117 = arith.muli %arg0, %mul3A_116 : i32
    %add3A_118 = vector.broadcast %mul3A_117 : i32 to vector<1024x1xi32>
    %add3A_119 = arith.addi %broadcast_in_dim3A_115, %add3A_118 : vector<1024x1xi32>
    %swap3A_120 = arith.constant 0 : index
    %swap3A_121 = arith.constant 0 : index
    %swap3A_122 = arith.constant 2 : index
    %swap3A_123 = vector.load %arg4[%swap3A_120, %swap3A_121, %swap3A_122] : memref<1x1024x3xi32, #tpu.memory_space<vmem>>, vector<1x1024x1xi32>
    %swap3A_124 = vector.shape_cast %swap3A_123 : vector<1x1024x1xi32> to vector<1024x1xi32>
    %swap3A_125 = vector.shape_cast %add3A_119 : vector<1024x1xi32> to vector<1x1024x1xi32>
    tpu.vector_store %arg4[%swap3A_120, %swap3A_121, %swap3A_122], %swap3A_125 {strides = array<i32>} : memref<1x1024x3xi32, #tpu.memory_space<vmem>>, vector<1x1024x1xi32>,
    %mul3A_126 = arith.mulf %rsqrt3A_50, %div3A_61 : vector<1024x1xf32>
    %broadcast_in_dim3A_127 = vector.shape_cast %mul3A_126 : vector<1024x1xf32> to vector<1024x1xf32>
    %broadcast_in_dim3A_128 = vector.broadcast %broadcast_in_dim3A_127 : vector<1024x1xf32> to vector<1024x16xf32>
    %swap3A_129 = arith.constant 0 : index
    %swap3A_130 = arith.constant 0 : index
    %swap3A_131 = arith.constant 32 : index
    %swap3A_132 = vector.load %arg5[%swap3A_129, %swap3A_130, %swap3A_131] : memref<1x1024x48xf32, #tpu.memory_space<vmem>>, vector<1x1024x16xf32>
    %swap3A_133 = vector.shape_cast %swap3A_132 : vector<1x1024x16xf32> to vector<1024x16xf32>
    %swap3A_134 = vector.shape_cast %broadcast_in_dim3A_128 : vector<1024x16xf32> to vector<1x1024x16xf32>
    tpu.vector_store %arg5[%swap3A_129, %swap3A_130, %swap3A_131], %swap3A_134 {strides = array<i32>} : memref<1x1024x48xf32, #tpu.memory_space<vmem>>, vector<1x1024x16xf32>,
    return
  }
  func.func @transform_0(%arg0: i32, %arg1: i32) -> (i32, i32, i32) {
    %c0_i32 = arith.constant 0 : i32
    %c0_i32_0 = arith.constant 0 : i32
    return %arg0, %arg1, %c0_i32 : i32, i32, i32
  }
  func.func @transform_1(%arg0: i32, %arg1: i32) -> (i32, i32, i32) {
    %c0_i32 = arith.constant 0 : i32
    %c0_i32_0 = arith.constant 0 : i32
    %c0_i32_1 = arith.constant 0 : i32
    return %arg0, %c0_i32, %c0_i32_0 : i32, i32, i32
  }
  func.func @transform_2(%arg0: i32, %arg1: i32) -> (i32, i32, i32) {
    %c0_i32 = arith.constant 0 : i32
    %c0_i32_0 = arith.constant 0 : i32
    return %arg0, %arg1, %c0_i32 : i32, i32, i32
  }
  func.func @transform_3(%arg0: i32, %arg1: i32) -> (i32, i32, i32) {
    %c0_i32 = arith.constant 0 : i32
    %c0_i32_0 = arith.constant 0 : i32
    return %arg0, %arg1, %c0_i32 : i32, i32, i32
  }
}

module attributes {stable_mosaic.version = 14 : i64} {
  func.func @_mlp_kernel(%arg0: i32, %arg1: memref<2048x256xf32, #tpu.memory_space<vmem>>, %arg2: memref<2048x256xf32, #tpu.memory_space<vmem>>, %arg3: memref<256x256xf32, #tpu.memory_space<vmem>>, %arg4: memref<256x256xf32, #tpu.memory_space<vmem>>, %arg5: memref<2048x256xf32, #tpu.memory_space<vmem>>) attributes {dimension_semantics = [#tpu.dimension_semantics<arbitrary>], iteration_bounds = array<i64: 32>, scalar_prefetch = 0 : i64, scratch_operands = 0 : i64, tpu.core_type = #tpu.core_type<tc>, window_params = [{transform_indices = @transform_0, window_bounds = array<i64: 2048, 256>}, {transform_indices = @transform_1, window_bounds = array<i64: 2048, 256>}, {pipeline_mode = #tpu.pipeline_mode<synchronous>, transform_indices = @transform_2, window_bounds = array<i64: 256, 256>}, {pipeline_mode = #tpu.pipeline_mode<synchronous>, transform_indices = @transform_3, window_bounds = array<i64: 256, 256>}, {transform_indices = @transform_4, window_bounds = array<i64: 2048, 256>}]} {
    %get3A = arith.constant 0 : index
    %get3A_0 = arith.constant 0 : index
    %get3A_1 = vector.load %arg1[%get3A, %get3A_0] : memref<2048x256xf32, #tpu.memory_space<vmem>>, vector<2048x256xf32>
    %get3A_2 = arith.constant 0 : index
    %get3A_3 = arith.constant 0 : index
    %get3A_4 = vector.load %arg2[%get3A_2, %get3A_3] : memref<2048x256xf32, #tpu.memory_space<vmem>>, vector<2048x256xf32>
    %get3A_5 = arith.constant 0 : index
    %get3A_6 = arith.constant 0 : index
    %get3A_7 = vector.load %arg3[%get3A_5, %get3A_6] : memref<256x256xf32, #tpu.memory_space<vmem>>, vector<256x256xf32>
    %dot_general3A = arith.constant dense<0.000000e+00> : vector<2048x256xf32>
    %dot_general3A_8 = tpu.matmul %get3A_4, %get3A_7, %dot_general3A {dimension_numbers = #tpu.dot_dimension_numbers<[1], [0], [0], [1], [0, 0, 1, 1], [], []>, transpose_lhs_hint = false} : vector<2048x256xf32>, vector<256x256xf32>, vector<2048x256xf32> -> vector<2048x256xf32>
    %add3A = arith.addf %get3A_1, %dot_general3A_8 : vector<2048x256xf32>
    %max3A = arith.constant 0.000000e+00 : f32
    %max3A_9 = vector.broadcast %max3A : f32 to vector<2048x256xf32>
    %max3A_10 = arith.maximumf %add3A, %max3A_9 : vector<2048x256xf32>
    %get3A_11 = arith.constant 0 : index
    %get3A_12 = arith.constant 0 : index
    %get3A_13 = vector.load %arg4[%get3A_11, %get3A_12] : memref<256x256xf32, #tpu.memory_space<vmem>>, vector<256x256xf32>
    %dot_general3A_14 = arith.constant dense<0.000000e+00> : vector<2048x256xf32>
    %dot_general3A_15 = tpu.matmul %max3A_10, %get3A_13, %dot_general3A_14 {dimension_numbers = #tpu.dot_dimension_numbers<[1], [0], [0], [1], [0, 0, 1, 1], [], []>, transpose_lhs_hint = false} : vector<2048x256xf32>, vector<256x256xf32>, vector<2048x256xf32> -> vector<2048x256xf32>
    %max3A_16 = arith.constant 0.000000e+00 : f32
    %max3A_17 = vector.broadcast %max3A_16 : f32 to vector<2048x256xf32>
    %max3A_18 = arith.maximumf %dot_general3A_15, %max3A_17 : vector<2048x256xf32>
    %swap3A = arith.constant 0 : index
    %swap3A_19 = arith.constant 0 : index
    %swap3A_20 = vector.load %arg5[%swap3A, %swap3A_19] : memref<2048x256xf32, #tpu.memory_space<vmem>>, vector<2048x256xf32>
    tpu.vector_store %arg5[%swap3A, %swap3A_19], %max3A_18 {strides = array<i32>} : memref<2048x256xf32, #tpu.memory_space<vmem>>, vector<2048x256xf32>,
    return
  }
  func.func @transform_0(%arg0: i32) -> (i32, i32) {
    %c0_i32 = arith.constant 0 : i32
    %c0_i32_0 = arith.constant 0 : i32
    return %arg0, %c0_i32 : i32, i32
  }
  func.func @transform_1(%arg0: i32) -> (i32, i32) {
    %c0_i32 = arith.constant 0 : i32
    %c0_i32_0 = arith.constant 0 : i32
    return %arg0, %c0_i32 : i32, i32
  }
  func.func @transform_2(%arg0: i32) -> (i32, i32) {
    %c0_i32 = arith.constant 0 : i32
    %c0_i32_0 = arith.constant 0 : i32
    %c0_i32_1 = arith.constant 0 : i32
    return %c0_i32, %c0_i32_0 : i32, i32
  }
  func.func @transform_3(%arg0: i32) -> (i32, i32) {
    %c0_i32 = arith.constant 0 : i32
    %c0_i32_0 = arith.constant 0 : i32
    %c0_i32_1 = arith.constant 0 : i32
    return %c0_i32, %c0_i32_0 : i32, i32
  }
  func.func @transform_4(%arg0: i32) -> (i32, i32) {
    %c0_i32 = arith.constant 0 : i32
    %c0_i32_0 = arith.constant 0 : i32
    return %arg0, %c0_i32 : i32, i32
  }
}

</mosaic_0001>

<sc_bundles>
// kernel: kernel.6.cloned.1.call-start
scs
__scs_entry_jumppad:
0x0: {  	(pc) =	sbr.rel $0x88, $3  }
0x1: {  	(tag) =	ssettag $0x0;
	lr =	simm.s32 $0x1  }
0x2: {  	[smem:$0x3F9B] =	sst lr;
	_ =	strace $0xD0000000  }
0x3: {  	_ = 	snop  }
0x4: {  	_ = 	snop  }
0x5: {  	_ = 	snop  }
0x6: {  	_ = 	snop  }
0x7: {  	_ = 	snop  }
__scs_overlays_trampoline_lowered:
0x8: {  	[smem:$0x3FAA] =	sst s0  }
0x9: {  	[smem:$0x3FAB] =	sst s1  }
0xa: {  	[smem:$0x3FAC] =	sst s2  }
0xb: {  	[smem:$0x3FAD] =	sst s3  }
0xc: {  	[smem:$0x3FAE] =	sst s4  }
0xd: {  	[smem:$0x3FAF] =	sst s5  }
0xe: {  	[smem:$0x3FB0] =	sst s6  }
0xf: {  	[smem:$0x3FB1] =	sst s7  }
0x10: {  	[smem:$0x3FB2] =	sst s8  }
0x11: {  	[smem:$0x3FB3] =	sst s9;
	s0 =	simm.s32 @!p0 $0x0  }
0x12: {  	s1 =	sld [smem:$0x3F99];
	s0 =	simm.s32 @p0 $0x1  }
0x13: {  	[smem:$0x3FB4] =	sst s0;
	s0 =	simm.s32 @!p1 $0x0  }
0x14: {  	s2 =	sld [smem:$0x3F98];
	s0 =	simm.s32 @p1 $0x1  }
0x15: {  	[smem:$0x3FB5] =	sst s0;
	s0 =	simm.s32 @!p2 $0x0  }
0x16: {  	s3 =	sld [smem:$0x3FDB];
	s0 =	simm.s32 @p2 $0x1  }
0x17: {  	s4 =	simm.s32 $0x1BF5;
	[smem:$0x3FB7] =	sst s0  }
0x18: {  	s0 =	sld [smem:$0x3F9A];
	_ =	swait.ge [sflag:s4], $0x0  }
0x19: {  	s7 =	sld [smem:$0x3F9B]  }
0x1a: {  	s8 =	sadd.s32 $0xFFFFE003, lr  }
0x1b: {  	s9 =	sadd.s32 $0xFFFFFEF7, lr;
	s5 =	simm.s32 $0xFFFFFFFF;
	p2 =	slt.u32 s8, $0xFFFFF086  }
0x1c: {  	p1 =	slt.u32 s9, $0xF7A;
	s5 =	simm.s32 @!p2 $0x0  }
0x1d: {  	s5 =	simm.s32 @p1 $0x1;
	p0 =	seq.s32 s7, s2  }
0x1e: {  	s7 =	smul.u32 @!p0 $0xF7A, s2;
	p2 =	seq.s32 @!p0 s5, $0x0  }
0x1f: {  	s9 =	smul.u32 $0xF7A, s1;
	s8 =	simm.s32 @!p0 $0x1BF5;
	p2 =	por !p2, p0  }
0x20: {  	[sflag:s8] =	ssyncset.s32 @!p0 $0xFFFFF086;
	s6 =	sadd.s32 @!p0 s3, s7;
	s7 =	simm.s32 @!p0 $0x108  }
0x21: {  	s3 =	sadd.s32 s3, s9;
	s6 =	sadd.s32 @!p0 $0x88, s6;
	s7 =	simm.s32 @p2 $0x1082  }
0x22: {  	[simem:s7], [sflag:s8] =	dma.local @!p0 [hbm:s6], $0xF7A  }
0x23: {  	s9 =	sor.u32 $0xD0000000, s2;
	s6 =	simm.s32 $0x108;
	_ =	swait.ge @!p0 [sflag:s8], $0x0  }
0x24: {  	s3 =	sadd.s32 $0x88, s3;
	s6 =	simm.s32 @!p1 $0x1082;
	[sflag:s4] =	ssyncset.s32 $0xFFFFF086  }
0x25: {  	[simem:s6], [sflag:s4] =	dma.local [hbm:s3], $0xF7A  }
0x26: {  	[smem:$0x3F9B] =	sst s1;
	(tag) =	ssettag s2;
	_ =	strace s9  }
0x27: {  	s1 =	sld [smem:$0x3FAB]  }
0x28: {  	s2 =	sld [smem:$0x3FAC]  }
0x29: {  	s4 =	sld [smem:$0x3FAE]  }
0x2a: {  	p0 =	seq.s32 s5, $0x0;
	s5 =	sld [smem:$0x3FAF]  }
0x2b: {  	s6 =	sld [smem:$0x3FB0]  }
0x2c: {  	s7 =	sld [smem:$0x3FB1]  }
0x2d: {  	s3 =	simm.s32 $0x108;
	s8 =	sld [smem:$0x3FB2]  }
0x2e: {  	s3 =	simm.s32 @!p0 $0x1082;
	s9 =	sld [smem:$0x3FB3]  }
0x2f: {  	lr =	sadd.s32 s0, s3;
	s0 =	sld [smem:$0x3FAA]  }
0x30: {  	s3 =	sld [smem:$0x3FAD]  }
0x31: {  	[smem:$0x3FB6] =	sst s10  }
0x32: {  	s10 =	sld [smem:$0x3FB4];
	_ =	sdelay $0x3  }
0x33: {  	p0 =	seq.s32 s10, $0x1;
	s10 =	sld [smem:$0x3FB6];
	_ =	sdelay $0x3  }
0x34: {  	[smem:$0x3FB6] =	sst s10  }
0x35: {  	s10 =	sld [smem:$0x3FB5];
	_ =	sdelay $0x3  }
0x36: {  	p1 =	seq.s32 s10, $0x1;
	s10 =	sld [smem:$0x3FB6];
	_ =	sdelay $0x3  }
0x37: {  	[smem:$0x3FB6] =	sst s10  }
0x38: {  	s10 =	sld [smem:$0x3FB7]  }
0x39: {  	_ = 	snop;
	(pc) =	sbr.ind lr, $3  }
0x3a: {  	_ = 	snop  }
0x3b: {  	_ = 	snop  }
0x3c: {  	p2 =	seq.s32 s10, $0x1;
	s10 =	sld [smem:$0x3FB6]  }
0x3d: {  	_ =	shalt  }
0x3e: {  	_ =	shalt  }
0x3f: {  	_ =	shalt  }
0x40: {  	_ =	shalt  }
0x41: {  	_ =	shalt  }
0x42: {  	_ =	shalt  }
0x43: {  	_ =	shalt  }
0x44: {  	_ =	shalt  }
0x45: {  	_ =	shalt  }
0x46: {  	_ =	shalt  }
0x47: {  	_ =	shalt  }
0x48: {  	_ =	shalt  }
0x49: {  	_ =	shalt  }
0x4a: {  	_ =	shalt  }
0x4b: {  	_ =	shalt  }
0x4c: {  	_ =	shalt  }
0x4d: {  	_ =	shalt  }
0x4e: {  	_ =	shalt  }
0x4f: {  	_ =	shalt  }
0x50: {  	_ =	shalt  }
0x51: {  	_ =	shalt  }
0x52: {  	_ =	shalt  }
0x53: {  	_ =	shalt  }
0x54: {  	_ =	shalt  }
0x55: {  	_ =	shalt  }
0x56: {  	_ =	shalt  }
0x57: {  	_ =	shalt  }
0x58: {  	_ =	shalt  }
0x59: {  	_ =	shalt  }
0x5a: {  	_ =	shalt  }
0x5b: {  	_ =	shalt  }
0x5c: {  	_ =	shalt  }
0x5d: {  	_ =	shalt  }
0x5e: {  	_ =	shalt  }
0x5f: {  	_ =	shalt  }
0x60: {  	_ =	shalt  }
0x61: {  	_ =	shalt  }
0x62: {  	_ =	shalt  }
0x63: {  	_ =	shalt  }
0x64: {  	_ =	shalt  }
0x65: {  	_ =	shalt  }
0x66: {  	_ =	shalt  }
0x67: {  	_ =	shalt  }
0x68: {  	_ =	shalt  }
0x69: {  	_ =	shalt  }
0x6a: {  	_ =	shalt  }
0x6b: {  	_ =	shalt  }
0x6c: {  	_ =	shalt  }
0x6d: {  	_ =	shalt  }
0x6e: {  	_ =	shalt  }
0x6f: {  	_ =	shalt  }
0x70: {  	_ =	shalt  }
0x71: {  	_ =	shalt  }
0x72: {  	_ =	shalt  }
0x73: {  	_ =	shalt  }
0x74: {  	_ =	shalt  }
0x75: {  	_ =	shalt  }
0x76: {  	_ =	shalt  }
0x77: {  	_ =	shalt  }
0x78: {  	_ =	shalt  }
0x79: {  	_ =	shalt  }
0x7a: {  	_ =	shalt  }
0x7b: {  	_ =	shalt  }
0x7c: {  	_ =	shalt  }
0x7d: {  	_ =	shalt  }
0x7e: {  	_ =	shalt  }
0x7f: {  	_ =	shalt  }
0x80: {  	_ =	shalt  }
0x81: {  	_ =	shalt  }
0x82: {  	_ =	shalt  }
0x83: {  	_ =	shalt  }
0x84: {  	_ =	shalt  }
0x85: {  	_ =	shalt  }
0x86: {  	_ =	shalt  }
0x87: {  	_ =	shalt  }
.Lfunc_end0:
.L_simem_size_0:
called_computation_lowered:
.L_overlay_start_0:
0x88: {  	s2 =	sld [smem:$0x3FD9]  }
0x89: {  	s3 =	sld [smem:$0x3FFE];
	_ =	sdelay $0x1  }
0x8a: {  	s1 =	srdreg.scid  }
0x8b: {  	s0 =	sand.u32 $0x1, s1  }
0x8c: {  	s17 =	sshll.u32 s0, $0xA;
	s2 =	sadd.s32 s3, s2  }
0x8d: {  	s2 =	sadd.s32 s2, s17  }
0x8e: {  	[smem:$0x3FC2] =	sst s2  }
0x8f: {  	_ = 	snop  }
0x90: {  	s2 =	sld [smem:$0x3FD0];
	(tm) =	ssettm $0x1  }
0x91: {  	s18 =	sld [smem:$0x3FFB];
	_ =	sdelay $0x3  }
0x92: {  	_ =	strace s18  }
0x93: {  	s3 =	sld [smem:$0x3FFC];
	_ =	sdelay $0x3  }
0x94: {  	_ =	strace s3  }
0x95: {  	s3 =	sld [smem:$0x3FFD];
	_ =	sdelay $0x3  }
0x96: {  	_ =	strace s3  }
0x97: {  	_ =	strace $0x8FFFFFFF  }
0x98: {  	s19 =	sld [smem:$0x3FDB];
	_ =	sdelay $0x1  }
0x99: {  	s4 =	simm.s32 $_scs_section_size  }
0x9a: {  	s5 =	simm.s32 $_size__tile_overlayer_lowered;
	s6 =	simm.s32 $_tile_overlayer_lowered  }
0x9b: {  	s22 =	simm.s32 $0x1BFF;
	s21 =	sshll.u32 s6, $0x1;
	s3 =	sadd.s32 s4, s19  }
0x9c: {  	s7 =	simm.s32 $0x0;
	s20 =	sshll.u32 s5, $0x1;
	s5 =	sadd.s32 s21, s3  }
0x9d: {  	[timem:s7], [sflag:s22] =	dma.local [hbm:s5], s20  }
0x9e: {  	_ =	swait.ge [sflag:s22], s20  }
0x9f: {  	s4 =	ssub.s32 $0x0, s20;
	[sflag:s22] =	ssyncset.done $0x0  }
0xa0: {  	[sflag:s22] =	ssyncadd.s32 s4;
	_ =	sdelay $0x1  }
0xa1: {  	s23 =	simm.s32 $0x1B8B  }
0xa2: {  	_ =	swait.ge [sflag:s23], $0x1  }
0xa3: {  	[sflag:s23] =	ssyncset.done $0x0  }
0xa4: {  	s25 =	simm.s32 $0x1B8E;
	s24 =	sld [smem:$0x3FFE];
	[sflag:s23] =	ssyncadd.s32 $0xFFFFFFFF  }
0xa5: {  	s26 =	simm.s32 $execute0_lowered;
	[smem:$0x3FD2] =	sst s25  }
0xa6: {  	s5 =	sshll.u32 s26, $0x1;
	_ =	strace $0x80000046;
	[dreg:$0x1] =	wrdreg $0xFFFFFFFF  }
0xa7: {  	s28 =	simm.s32 $_size_execute0_lowered;
	s3 =	sadd.s32 s3, s5;
	[dreg:$0x0] =	wrdreg $0x0  }
0xa8: {  	s5 =	sshll.u32 s28, $0x1;
	[dreg:$0x2] =	wrdreg s3  }
0xa9: {  	[dreg:$0x3] =	wrdreg s5  }
0xaa: {  	[dreg:$0x4] =	wrdreg $0xC0  }
0xab: {  	_ =	task [dreg:s7], $0x5FFFF  }
0xac: {  	[dreg:$0x1] =	wrdreg $0xFFFFFFFF  }
0xad: {  	[dreg:$0x0] =	wrdreg $0x60  }
0xae: {  	[dreg:$0x2] =	wrdreg s2  }
0xaf: {  	[dreg:$0x3] =	wrdreg s24  }
0xb0: {  	[dreg:$0x4] =	wrdreg $0x9  }
0xb1: {  	_ =	task.clear_ibuf [dreg:s7], $0x5FFFF;
	_ =	strace $0x90000046  }
0xb2: {  	s29 =	simm.s32 $0x9;
	_ =	strace $0x80000048  }
0xb3: {  	_ =	swait.ge [sflag:s29], $0x1  }
0xb4: {  	[sflag:s29] =	ssyncadd.s32 $0xFFFFFFFF  }
0xb5: {  	_ =	strace $0x90000048  }
0xb6: {  	_ =	sfence  }
0xb7: {  	s30 =	sld [smem:$0x0];
	_ =	sdelay $0x2  }
0xb8: {  	s31 =	sshll.u32 s1, $0xD;
	s1 =	sshrl.u32 s1, $0x2  }
0xb9: {  	s3 =	sand.u32 $0x4000, s31;
	s1 =	sadd.s32 s1, s30  }
0xba: {  	s0 =	sor.u32 s3, s0;
	s1 =	sshll.u32 s1, $0x11  }
0xbb: {  	s0 =	sor.u32 s1, s0  }
0xbc: {  	s0 =	sadd.s32 $0x8F2B, s0  }
0xbd: {  	[sflag:s0] =	ssyncadd.remote.s32 $0x1  }
0xbe: {  	_ =	sfence.sel $0xFFFF  }
0xbf: {  	[dreg:$0x0] =	wrdreg $0xFFFFFFFF;
	(pc) =	sbr.abs _section_cstart, $3  }
0xc0: {  	[dreg:$0x1] =	wrdreg $0xFFFFFFFF  }
0xc1: {  	_ =	task.clear_ibuf [dreg:s7], $0x2FFFF;
	_ =	strace $0x9FFFFFFF  }
0xc2: {  	(tm) =	ssettm $0x7FFFFFFF  }
0xc3: {  	_ =	shalt  }
tec
execute0_lowered:
.L_overlay_start_1:
0x0: {  	(tag) =	ssettag $0x1  }
0x1: {  	s1 =	rddreg [dreg:$0x0]  }
0x2: {  	s0 =	rddreg [dreg:$0x1];
	s2 =	simm.s32 $0x0  }
0x3: {  	s30 =	srdreg.scid;
	s6 =	stileid.u32;
	s9 =	simm.s32 $0x2  }
0x4: {  	s16 =	simm.s32 $0x5880;
	s17 =	simm.s32 $0x6080;
	s18 =	simm.s32 $0x6880  }
0x5: {  	s19 =	simm.s32 $0x7080;
	s20 =	simm.s32 $0x7880;
	s21 =	simm.s32 $0x8080  }
0x6: {  	s22 =	simm.s32 $0x8880;
	[smem:$0x7FF] =	sst s2;
	s2 =	sand.u32 $0x1, s30  }
0x7: {  	s23 =	simm.s32 $0x1;
	s24 =	simm.s32 $0x9080;
	s3 =	ssub.s32 $0x2, s2  }
0x8: {  	s4 =	sadd.s32 $0xE00, s0;
	s5 =	sadd.s32 $0x200E00, s0;
	s7 =	sshrl.u32 s3, $0x1  }
0x9: {  	v2 =	vlaneseq.u32;
	s8 =	sshll.u32 s6, $0xC;
	s6 =	sadd.s32 $0x500E00, s0;
	s31 =	ssub.s32 s3, s7  }
0xa: {  	vm0 =	vmmov $0xffff;
	v1 =	vshrl.u32 v2, $0x3;
	_ =	strace $0x80000047;
	s2 =	sshll.u32 s2, $0xB;
	s0 =	smax.u32 s31, $0x1  }
0xb: {  	v0 =	vand.u32 $0x7, v2;
	v2 =	vor.u32 $0x8, v2;
	v1 =	vmul.u32 $0x8, v1;
	s7 =	sor.u32 s2, s8;
	s2 =	simm.s32 $0x0;
	[dreg:$0x3] =	wrdreg s0  }
.LBB2_1:
0xc: {  	[dreg:$0x4] =	wrdreg s2;
	s26 =	simm.s32 $0x0  }
.LBB2_2:
0xd: {  	s0 =	sshll.u32 s26, $0x5  }
0xe: {  	s28 =	sadd.s32 s7, s0  }
0xf: {  	s0 =	smul.u32 $0x3, s28;
	_ =	sdelay $0x1  }
0x10: {  	s0 =	sshrl.u32 s0, $0x3  }
0x11: {  	s29 =	simm.s32 $0x0;
	s0 =	sadd.s32 s4, s0  }
0x12: {  	[tilespmem:s29], [sflag:$0x2] =	stream.linear.gather [hbm4b:s0+s29], $0x60, $0x38;
	[tilespmem:$0xB080] =	vst v63  }
0x13: {  	s13 =	smul.u32 $0x30, s28;
	_ =	swait.ge [sflag:s9], $0x60  }
0x14: {  	[sflag:s9] =	ssyncset.done $0x0  }
0x15: {  	s2 =	simm.s32 $0x80;
	s0 =	sadd.s32 s5, s13;
	[sflag:s9] =	ssyncadd.s32 $0xFFFFFFA0  }
0x16: {  	[tilespmem:s2], [sflag:$0x2] =	stream.linear.gather [hbm4b:s0+s29], $0x3000, $0x38;
	[tilespmem:$0xB080] =	vst v63  }
0x17: {  	_ =	swait.ge [sflag:s9], $0x3000  }
0x18: {  	[sflag:s9] =	ssyncset.done $0x0  }
0x19: {  	[sflag:s9] =	ssyncadd.s32 $0xFFFFD000  }
0x1a: {  	v3 =	vld [tilespmem:$0x0];
	_ =	sdelay $0x4  }
0x1b: {  	v4 =	vshll.u32 v3, $0x1  }
0x1c: {  	v3 =	vand.u32 $0x7, v3;
	v4 =	vand.u32 $0xFFFFFFF0, v4  }
0x1d: {  	v3 =	vor.u32 v3, v4  }
0x1e: {  	v4 =	vperm.xlane v3, v0;
	_ =	sdelay $0x1  }
0x1f: {  	v3 =	vperm.xlane v3, v2;
	v4 =	vadd.s32 v1, v4;
	_ =	sdelay $0x1  }
0x20: {  	v3 =	vadd.s32 v1, v3;
	_ =	sdelay $0x1  }
0x21: {  	s14 =	simm.s32 $0x3080  }
0x22: {  	[tilespmem:s14], [sflag:$0x1] =	stream.indirect_vreg.gather [hbm4b:s1+s29], $0x80, v4, vm0, $0xb8;
	[tilespmem:$0xB080] =	vst v63  }
0x23: {  	s15 =	simm.s32 $0x3880  }
0x24: {  	[tilespmem:s15], [sflag:$0x1] =	stream.indirect_vreg.gather [hbm4b:s1+s29], $0x80, v3, vm0, $0xb8;
	[tilespmem:$0xB080] =	vst v63  }
0x25: {  	v3 =	vld [tilespmem:$0x10];
	_ =	sdelay $0x4  }
0x26: {  	v4 =	vshll.u32 v3, $0x1  }
0x27: {  	v3 =	vand.u32 $0x7, v3;
	v4 =	vand.u32 $0xFFFFFFF0, v4  }
0x28: {  	v3 =	vor.u32 v3, v4  }
0x29: {  	v4 =	vperm.xlane v3, v0;
	_ =	sdelay $0x1  }
0x2a: {  	v3 =	vperm.xlane v3, v2;
	v4 =	vadd.s32 v1, v4;
	_ =	sdelay $0x1  }
0x2b: {  	v3 =	vadd.s32 v1, v3;
	_ =	sdelay $0x1  }
0x2c: {  	s25 =	simm.s32 $0x4080  }
0x2d: {  	[tilespmem:s25], [sflag:$0x1] =	stream.indirect_vreg.gather [hbm4b:s1+s29], $0x80, v4, vm0, $0xb8;
	[tilespmem:$0xB080] =	vst v63  }
0x2e: {  	s2 =	simm.s32 $0x4880  }
0x2f: {  	[tilespmem:s2], [sflag:$0x1] =	stream.indirect_vreg.gather [hbm4b:s1+s29], $0x80, v3, vm0, $0xb8;
	[tilespmem:$0xB080] =	vst v63  }
0x30: {  	v3 =	vld [tilespmem:$0x20];
	_ =	sdelay $0x4  }
0x31: {  	v4 =	vshll.u32 v3, $0x1  }
0x32: {  	v3 =	vand.u32 $0x7, v3;
	v4 =	vand.u32 $0xFFFFFFF0, v4  }
0x33: {  	v3 =	vor.u32 v3, v4  }
0x34: {  	v4 =	vperm.xlane v3, v0;
	_ =	sdelay $0x1  }
0x35: {  	v3 =	vperm.xlane v3, v2;
	v4 =	vadd.s32 v1, v4;
	_ =	sdelay $0x1  }
0x36: {  	v3 =	vadd.s32 v1, v3;
	_ =	sdelay $0x1  }
0x37: {  	s3 =	simm.s32 $0x5080  }
0x38: {  	[tilespmem:s3], [sflag:$0x1] =	stream.indirect_vreg.gather [hbm4b:s1+s29], $0x80, v4, vm0, $0xb8;
	[tilespmem:$0xB080] =	vst v63  }
0x39: {  	_ = 	snop  }
0x3a: {  	[tilespmem:s16], [sflag:$0x1] =	stream.indirect_vreg.gather [hbm4b:s1+s29], $0x80, v3, vm0, $0xb8;
	[tilespmem:$0xB080] =	vst v63  }
0x3b: {  	v3 =	vld [tilespmem:$0x30];
	_ =	sdelay $0x4  }
0x3c: {  	v4 =	vshll.u32 v3, $0x1  }
0x3d: {  	v3 =	vand.u32 $0x7, v3;
	v4 =	vand.u32 $0xFFFFFFF0, v4  }
0x3e: {  	v3 =	vor.u32 v3, v4  }
0x3f: {  	v4 =	vperm.xlane v3, v0;
	_ =	sdelay $0x1  }
0x40: {  	v3 =	vperm.xlane v3, v2;
	v4 =	vadd.s32 v1, v4;
	_ =	sdelay $0x1  }
0x41: {  	v3 =	vadd.s32 v1, v3;
	_ =	sdelay $0x2  }
0x42: {  	[tilespmem:s17], [sflag:$0x1] =	stream.indirect_vreg.gather [hbm4b:s1+s29], $0x80, v4, vm0, $0xb8;
	[tilespmem:$0xB080] =	vst v63  }
0x43: {  	_ = 	snop  }
0x44: {  	[tilespmem:s18], [sflag:$0x1] =	stream.indirect_vreg.gather [hbm4b:s1+s29], $0x80, v3, vm0, $0xb8;
	[tilespmem:$0xB080] =	vst v63  }
0x45: {  	v3 =	vld [tilespmem:$0x40];
	_ =	sdelay $0x4  }
0x46: {  	v4 =	vshll.u32 v3, $0x1  }
0x47: {  	v3 =	vand.u32 $0x7, v3;
	v4 =	vand.u32 $0xFFFFFFF0, v4  }
0x48: {  	v3 =	vor.u32 v3, v4  }
0x49: {  	v4 =	vperm.xlane v3, v0;
	_ =	sdelay $0x1  }
0x4a: {  	v3 =	vperm.xlane v3, v2;
	v4 =	vadd.s32 v1, v4;
	_ =	sdelay $0x1  }
0x4b: {  	v3 =	vadd.s32 v1, v3;
	_ =	sdelay $0x2  }
0x4c: {  	[tilespmem:s19], [sflag:$0x1] =	stream.indirect_vreg.gather [hbm4b:s1+s29], $0x80, v4, vm0, $0xb8;
	[tilespmem:$0xB080] =	vst v63  }
0x4d: {  	_ = 	snop  }
0x4e: {  	[tilespmem:s20], [sflag:$0x1] =	stream.indirect_vreg.gather [hbm4b:s1+s29], $0x80, v3, vm0, $0xb8;
	[tilespmem:$0xB080] =	vst v63  }
0x4f: {  	v3 =	vld [tilespmem:$0x50];
	_ =	sdelay $0x4  }
0x50: {  	v4 =	vshll.u32 v3, $0x1  }
0x51: {  	v3 =	vand.u32 $0x7, v3;
	v4 =	vand.u32 $0xFFFFFFF0, v4  }
0x52: {  	v3 =	vor.u32 v3, v4  }
0x53: {  	v4 =	vperm.xlane v3, v0;
	_ =	sdelay $0x1  }
0x54: {  	v3 =	vperm.xlane v3, v2;
	v4 =	vadd.s32 v1, v4;
	_ =	sdelay $0x1  }
0x55: {  	v3 =	vadd.s32 v1, v3;
	_ =	sdelay $0x2  }
0x56: {  	[tilespmem:s21], [sflag:$0x1] =	stream.indirect_vreg.gather [hbm4b:s1+s29], $0x80, v4, vm0, $0xb8;
	[tilespmem:$0xB080] =	vst v63  }
0x57: {  	_ = 	snop  }
0x58: {  	[tilespmem:s22], [sflag:$0x1] =	stream.indirect_vreg.gather [hbm4b:s1+s29], $0x80, v3, vm0, $0xb8;
	[tilespmem:$0xB080] =	vst v63  }
0x59: {  	s11 =	simm.s32 $0x100;
	_ =	swait.ge [sflag:s23], $0x6000  }
0x5a: {  	s8 =	sand.u32 $0x7800, s29;
	s10 =	sand.u32 $0x380, s29;
	[sflag:s23] =	ssyncset.done $0x0  }
0x5b: {  	s12 =	simm.s32 $0x80;
	s30 =	sor.u32 s10, s8;
	[sflag:s23] =	ssyncadd.s32 $0xFFFFA000  }
0x5c: {  	s0 =	sand.u32 $0xF800, s11;
	s2 =	sand.u32 $0x380, s12;
	s3 =	simm.s32 $0x180;
	v6 =	vld [tilespmem:s30+$0x3080]  }
0x5d: {  	s31 =	sor.u32 s2, s0;
	v3 =	vld [tilespmem:s3+$0xFFFFFF00]  }
0x5e: {  	s13 =	simm.s32 $0x100;
	s14 =	simm.s32 $0x200;
	v7 =	vld [tilespmem:s31+$0x3080]  }
0x5f: {  	s2 =	sand.u32 $0xF800, s14;
	s0 =	sand.u32 $0x380, s13;
	v5 =	vld [tilespmem:s3+$0xFFFFFF80]  }
0x60: {  	s0 =	sor.u32 s0, s2;
	v4 =	vld [tilespmem:s3+$0x0]  }
0x61: {  	v8 =	vld [tilespmem:s0+$0x3080];
	_ =	sdelay $0x2  }
0x62: {  	v6 =	vmul.f32 v6, v3;
	v7 =	vmul.f32 v7, v5;
	_ =	sdelay $0x1  }
0x63: {  	v6 =	vadd.f32 v7, v6;
	v7 =	vmul.f32 v8, v4;
	_ =	sdelay $0x1  }
0x64: {  	s15 =	sand.u32 $0x1800, s29;
	s25 =	sand.u32 $0x380, s29;
	v6 =	vadd.f32 v7, v6  }
0x65: {  	s3 =	sor.u32 s25, s15  }
0x66: {  	[tilespmem:s3+$0x9080] =	vst v6  }
0x67: {  	v6 =	vld [tilespmem:s30+$0x3090]  }
0x68: {  	v7 =	vld [tilespmem:s31+$0x3090];
	_ =	sdelay $0x1  }
0x69: {  	v8 =	vld [tilespmem:s0+$0x3090];
	_ =	sdelay $0x2  }
0x6a: {  	v6 =	vmul.f32 v6, v3;
	v7 =	vmul.f32 v7, v5;
	_ =	sdelay $0x1  }
0x6b: {  	v6 =	vadd.f32 v7, v6;
	v7 =	vmul.f32 v8, v4;
	_ =	sdelay $0x1  }
0x6c: {  	v6 =	vadd.f32 v7, v6;
	_ =	sdelay $0x1  }
0x6d: {  	[tilespmem:s3+$0x9090] =	vst v6  }
0x6e: {  	v6 =	vld [tilespmem:s30+$0x30A0]  }
0x6f: {  	v7 =	vld [tilespmem:s31+$0x30A0];
	_ =	sdelay $0x1  }
0x70: {  	v8 =	vld [tilespmem:s0+$0x30A0];
	_ =	sdelay $0x2  }
0x71: {  	v6 =	vmul.f32 v6, v3;
	v7 =	vmul.f32 v7, v5;
	_ =	sdelay $0x1  }
0x72: {  	v6 =	vadd.f32 v7, v6;
	v7 =	vmul.f32 v8, v4;
	_ =	sdelay $0x1  }
0x73: {  	v6 =	vadd.f32 v7, v6;
	_ =	sdelay $0x1  }
0x74: {  	[tilespmem:s3+$0x90A0] =	vst v6  }
0x75: {  	v6 =	vld [tilespmem:s30+$0x30B0]  }
0x76: {  	v7 =	vld [tilespmem:s31+$0x30B0];
	_ =	sdelay $0x1  }
0x77: {  	v8 =	vld [tilespmem:s0+$0x30B0];
	_ =	sdelay $0x2  }
0x78: {  	v6 =	vmul.f32 v6, v3;
	v7 =	vmul.f32 v7, v5;
	_ =	sdelay $0x1  }
0x79: {  	v6 =	vadd.f32 v7, v6;
	v7 =	vmul.f32 v8, v4;
	_ =	sdelay $0x1  }
0x7a: {  	v6 =	vadd.f32 v7, v6;
	_ =	sdelay $0x1  }
0x7b: {  	[tilespmem:s3+$0x90B0] =	vst v6  }
0x7c: {  	v6 =	vld [tilespmem:s30+$0x30C0]  }
0x7d: {  	v7 =	vld [tilespmem:s31+$0x30C0];
	_ =	sdelay $0x1  }
0x7e: {  	v8 =	vld [tilespmem:s0+$0x30C0];
	_ =	sdelay $0x2  }
0x7f: {  	v6 =	vmul.f32 v6, v3;
	v7 =	vmul.f32 v7, v5;
	_ =	sdelay $0x1  }
0x80: {  	v6 =	vadd.f32 v7, v6;
	v7 =	vmul.f32 v8, v4;
	_ =	sdelay $0x1  }
0x81: {  	v6 =	vadd.f32 v7, v6;
	_ =	sdelay $0x1  }
0x82: {  	[tilespmem:s3+$0x90C0] =	vst v6  }
0x83: {  	v6 =	vld [tilespmem:s30+$0x30D0]  }
0x84: {  	v7 =	vld [tilespmem:s31+$0x30D0];
	_ =	sdelay $0x1  }
0x85: {  	v8 =	vld [tilespmem:s0+$0x30D0];
	_ =	sdelay $0x2  }
0x86: {  	v6 =	vmul.f32 v6, v3;
	v7 =	vmul.f32 v7, v5;
	_ =	sdelay $0x1  }
0x87: {  	v6 =	vadd.f32 v7, v6;
	v7 =	vmul.f32 v8, v4;
	_ =	sdelay $0x1  }
0x88: {  	v6 =	vadd.f32 v7, v6;
	_ =	sdelay $0x1  }
0x89: {  	[tilespmem:s3+$0x90D0] =	vst v6  }
0x8a: {  	v6 =	vld [tilespmem:s30+$0x30E0]  }
0x8b: {  	v7 =	vld [tilespmem:s31+$0x30E0];
	_ =	sdelay $0x1  }
0x8c: {  	v8 =	vld [tilespmem:s0+$0x30E0];
	_ =	sdelay $0x2  }
0x8d: {  	v6 =	vmul.f32 v6, v3;
	v7 =	vmul.f32 v7, v5;
	_ =	sdelay $0x1  }
0x8e: {  	v6 =	vadd.f32 v7, v6;
	v7 =	vmul.f32 v8, v4;
	_ =	sdelay $0x1  }
0x8f: {  	v6 =	vadd.f32 v7, v6;
	_ =	sdelay $0x1  }
0x90: {  	[tilespmem:s3+$0x90E0] =	vst v6  }
0x91: {  	v6 =	vld [tilespmem:s30+$0x30F0]  }
0x92: {  	v7 =	vld [tilespmem:s31+$0x30F0];
	_ =	sdelay $0x1  }
0x93: {  	v8 =	vld [tilespmem:s0+$0x30F0];
	_ =	sdelay $0x2  }
0x94: {  	v6 =	vmul.f32 v6, v3;
	v7 =	vmul.f32 v7, v5;
	_ =	sdelay $0x1  }
0x95: {  	v6 =	vadd.f32 v7, v6;
	v7 =	vmul.f32 v8, v4;
	_ =	sdelay $0x1  }
0x96: {  	v6 =	vadd.f32 v7, v6;
	_ =	sdelay $0x1  }
0x97: {  	[tilespmem:s3+$0x90F0] =	vst v6  }
0x98: {  	v6 =	vld [tilespmem:s30+$0x3480]  }
0x99: {  	v7 =	vld [tilespmem:s31+$0x3480];
	_ =	sdelay $0x1  }
0x9a: {  	v8 =	vld [tilespmem:s0+$0x3480];
	_ =	sdelay $0x2  }
0x9b: {  	v6 =	vmul.f32 v6, v3;
	v7 =	vmul.f32 v7, v5;
	_ =	sdelay $0x1  }
0x9c: {  	v6 =	vadd.f32 v7, v6;
	v7 =	vmul.f32 v8, v4;
	_ =	sdelay $0x1  }
0x9d: {  	v6 =	vadd.f32 v7, v6;
	_ =	sdelay $0x1  }
0x9e: {  	[tilespmem:s3+$0x9480] =	vst v6  }
0x9f: {  	v6 =	vld [tilespmem:s30+$0x3490]  }
0xa0: {  	v7 =	vld [tilespmem:s31+$0x3490];
	_ =	sdelay $0x1  }
0xa1: {  	v8 =	vld [tilespmem:s0+$0x3490];
	_ =	sdelay $0x2  }
0xa2: {  	v6 =	vmul.f32 v6, v3;
	v7 =	vmul.f32 v7, v5;
	_ =	sdelay $0x1  }
0xa3: {  	v6 =	vadd.f32 v7, v6;
	v7 =	vmul.f32 v8, v4;
	_ =	sdelay $0x1  }
0xa4: {  	v6 =	vadd.f32 v7, v6;
	_ =	sdelay $0x1  }
0xa5: {  	[tilespmem:s3+$0x9490] =	vst v6  }
0xa6: {  	v6 =	vld [tilespmem:s30+$0x34A0]  }
0xa7: {  	v7 =	vld [tilespmem:s31+$0x34A0];
	_ =	sdelay $0x1  }
0xa8: {  	v8 =	vld [tilespmem:s0+$0x34A0];
	_ =	sdelay $0x2  }
0xa9: {  	v6 =	vmul.f32 v6, v3;
	v7 =	vmul.f32 v7, v5;
	_ =	sdelay $0x1  }
0xaa: {  	v6 =	vadd.f32 v7, v6;
	v7 =	vmul.f32 v8, v4;
	_ =	sdelay $0x1  }
0xab: {  	v6 =	vadd.f32 v7, v6;
	_ =	sdelay $0x1  }
0xac: {  	[tilespmem:s3+$0x94A0] =	vst v6  }
0xad: {  	v6 =	vld [tilespmem:s30+$0x34B0]  }
0xae: {  	v7 =	vld [tilespmem:s31+$0x34B0];
	_ =	sdelay $0x1  }
0xaf: {  	v8 =	vld [tilespmem:s0+$0x34B0];
	_ =	sdelay $0x2  }
0xb0: {  	v6 =	vmul.f32 v6, v3;
	v7 =	vmul.f32 v7, v5;
	_ =	sdelay $0x1  }
0xb1: {  	v6 =	vadd.f32 v7, v6;
	v7 =	vmul.f32 v8, v4;
	_ =	sdelay $0x1  }
0xb2: {  	v6 =	vadd.f32 v7, v6;
	_ =	sdelay $0x1  }
0xb3: {  	[tilespmem:s3+$0x94B0] =	vst v6  }
0xb4: {  	v7 =	vld [tilespmem:s30+$0x34C0]  }
0xb5: {  	v8 =	vld [tilespmem:s31+$0x34C0];
	_ =	sdelay $0x1  }
0xb6: {  	s8 =	simm.s32 $0x180;
	v6 =	vld [tilespmem:s0+$0x34C0]  }
0xb7: {  	s10 =	simm.s32 $0x0;
	s2 =	simm.s32 $0x0;
	s25 =	simm.s32 $0x300  }
.LBB2_3:
0xb8: {  	s29 =	sadd.s32 $0x80, s29;
	s2 =	sadd.s32 $0x100, s2;
	s10 =	sadd.s32 $0x300, s10  }
0xb9: {  	p0 =	sne.s32 s8, $0x2E80;
	v7 =	vmul.f32 v7, v3;
	s11 =	smov.u32 s8;
	s8 =	sadd.s32 $0x180, s8;
	v8 =	vmul.f32 v8, v5  }
0xba: {  	_ = 	snop  }
0xbb: {  	v6 =	vmul.f32 v6, v4;
	v7 =	vadd.f32 v8, v7;
	_ =	sdelay $0x1  }
0xbc: {  	v6 =	vadd.f32 v6, v7;
	_ =	sdelay $0x1  }
0xbd: {  	[tilespmem:s3+$0x94C0] =	vst v6  }
0xbe: {  	v6 =	vld [tilespmem:s30+$0x34D0]  }
0xbf: {  	v7 =	vld [tilespmem:s31+$0x34D0]  }
0xc0: {  	v8 =	vld [tilespmem:s0+$0x34D0];
	_ =	sdelay $0x2  }
0xc1: {  	v6 =	vmul.f32 v6, v3  }
0xc2: {  	v7 =	vmul.f32 v7, v5  }
0xc3: {  	s12 =	sand.u32 $0x7800, s10;
	s13 =	sand.u32 $0x380, s11;
	s14 =	sadd.s32 $0x100, s11  }
0xc4: {  	s11 =	sadd.s32 $0x80, s11;
	s12 =	sor.u32 s13, s12;
	s13 =	sadd.s32 $0x100, s10;
	v6 =	vadd.f32 v7, v6;
	v7 =	vmul.f32 v8, v4  }
0xc5: {  	s15 =	sadd.s32 $0x200, s10;
	s11 =	sand.u32 $0x380, s11;
	s13 =	sand.u32 $0xF800, s13  }
0xc6: {  	s14 =	sand.u32 $0x380, s14;
	s11 =	sor.u32 s11, s13;
	s13 =	sand.u32 $0xF800, s15;
	v6 =	vadd.f32 v7, v6  }
0xc7: {  	s13 =	sor.u32 s14, s13  }
0xc8: {  	[tilespmem:s3+$0x94D0] =	vst v6  }
0xc9: {  	v6 =	vld [tilespmem:s30+$0x34E0]  }
0xca: {  	v7 =	vld [tilespmem:s31+$0x34E0]  }
0xcb: {  	v8 =	vld [tilespmem:s0+$0x34E0];
	_ =	sdelay $0x2  }
0xcc: {  	v6 =	vmul.f32 v6, v3  }
0xcd: {  	v7 =	vmul.f32 v7, v5;
	_ =	sdelay $0x1  }
0xce: {  	v6 =	vadd.f32 v7, v6;
	v7 =	vmul.f32 v8, v4;
	_ =	sdelay $0x1  }
0xcf: {  	v6 =	vadd.f32 v7, v6;
	_ =	sdelay $0x1  }
0xd0: {  	[tilespmem:s3+$0x94E0] =	vst v6  }
0xd1: {  	v6 =	vld [tilespmem:s30+$0x34F0];
	s30 =	smov.u32 s12  }
0xd2: {  	v7 =	vld [tilespmem:s31+$0x34F0];
	s31 =	smov.u32 s11  }
0xd3: {  	v8 =	vld [tilespmem:s0+$0x34F0];
	s0 =	smov.u32 s13;
	_ =	sdelay $0x2  }
0xd4: {  	v3 =	vmul.f32 v6, v3  }
0xd5: {  	v5 =	vmul.f32 v7, v5;
	_ =	sdelay $0x1  }
0xd6: {  	v4 =	vmul.f32 v8, v4;
	v3 =	vadd.f32 v5, v3;
	_ =	sdelay $0x1  }
0xd7: {  	v3 =	vadd.f32 v4, v3;
	_ =	sdelay $0x1  }
0xd8: {  	[tilespmem:s3+$0x94F0] =	vst v3  }
0xd9: {  	v6 =	vld [tilespmem:s30+$0x3080]  }
0xda: {  	v3 =	vld [tilespmem:s25+$0xFFFFFF00]  }
0xdb: {  	v7 =	vld [tilespmem:s31+$0x3080]  }
0xdc: {  	v5 =	vld [tilespmem:s25+$0xFFFFFF80]  }
0xdd: {  	v4 =	vld [tilespmem:s25+$0x0]  }
0xde: {  	v8 =	vld [tilespmem:s0+$0x3080];
	_ =	sdelay $0x1  }
0xdf: {  	v6 =	vmul.f32 v6, v3  }
0xe0: {  	v7 =	vmul.f32 v7, v5;
	_ =	sdelay $0x1  }
0xe1: {  	v6 =	vadd.f32 v7, v6;
	v7 =	vmul.f32 v8, v4;
	_ =	sdelay $0x1  }
0xe2: {  	s11 =	sand.u32 $0x380, s29;
	s3 =	sand.u32 $0x1800, s2;
	v6 =	vadd.f32 v7, v6  }
0xe3: {  	s3 =	sor.u32 s11, s3  }
0xe4: {  	[tilespmem:s3+$0x9080] =	vst v6  }
0xe5: {  	v6 =	vld [tilespmem:s30+$0x3090]  }
0xe6: {  	v7 =	vld [tilespmem:s31+$0x3090];
	_ =	sdelay $0x1  }
0xe7: {  	v8 =	vld [tilespmem:s0+$0x3090];
	_ =	sdelay $0x1  }
0xe8: {  	v6 =	vmul.f32 v6, v3  }
0xe9: {  	v7 =	vmul.f32 v7, v5;
	_ =	sdelay $0x1  }
0xea: {  	v6 =	vadd.f32 v7, v6;
	v7 =	vmul.f32 v8, v4;
	_ =	sdelay $0x1  }
0xeb: {  	v6 =	vadd.f32 v7, v6;
	_ =	sdelay $0x1  }
0xec: {  	[tilespmem:s3+$0x9090] =	vst v6  }
0xed: {  	v6 =	vld [tilespmem:s30+$0x30A0]  }
0xee: {  	v7 =	vld [tilespmem:s31+$0x30A0];
	_ =	sdelay $0x1  }
0xef: {  	v8 =	vld [tilespmem:s0+$0x30A0];
	_ =	sdelay $0x1  }
0xf0: {  	v6 =	vmul.f32 v6, v3  }
0xf1: {  	v7 =	vmul.f32 v7, v5;
	_ =	sdelay $0x1  }
0xf2: {  	v6 =	vadd.f32 v7, v6;
	v7 =	vmul.f32 v8, v4;
	_ =	sdelay $0x1  }
0xf3: {  	v6 =	vadd.f32 v7, v6;
	_ =	sdelay $0x1  }
0xf4: {  	[tilespmem:s3+$0x90A0] =	vst v6  }
0xf5: {  	v6 =	vld [tilespmem:s30+$0x30B0]  }
0xf6: {  	v7 =	vld [tilespmem:s31+$0x30B0]  }
0xf7: {  	v8 =	vld [tilespmem:s0+$0x30B0];
	_ =	sdelay $0x2  }
0xf8: {  	v6 =	vmul.f32 v6, v3  }
0xf9: {  	v7 =	vmul.f32 v7, v5;
	_ =	sdelay $0x1  }
0xfa: {  	v6 =	vadd.f32 v7, v6;
	v7 =	vmul.f32 v8, v4;
	_ =	sdelay $0x1  }
0xfb: {  	v6 =	vadd.f32 v7, v6;
	_ =	sdelay $0x1  }
0xfc: {  	[tilespmem:s3+$0x90B0] =	vst v6  }
0xfd: {  	v6 =	vld [tilespmem:s30+$0x30C0]  }
0xfe: {  	v7 =	vld [tilespmem:s31+$0x30C0]  }
0xff: {  	v8 =	vld [tilespmem:s0+$0x30C0];
	_ =	sdelay $0x2  }
0x100: {  	v6 =	vmul.f32 v6, v3  }
0x101: {  	v7 =	vmul.f32 v7, v5;
	_ =	sdelay $0x1  }
0x102: {  	v6 =	vadd.f32 v7, v6;
	v7 =	vmul.f32 v8, v4;
	_ =	sdelay $0x1  }
0x103: {  	v6 =	vadd.f32 v7, v6;
	_ =	sdelay $0x1  }
0x104: {  	[tilespmem:s3+$0x90C0] =	vst v6  }
0x105: {  	v6 =	vld [tilespmem:s30+$0x30D0]  }
0x106: {  	v7 =	vld [tilespmem:s31+$0x30D0]  }
0x107: {  	v8 =	vld [tilespmem:s0+$0x30D0];
	_ =	sdelay $0x2  }
0x108: {  	v6 =	vmul.f32 v6, v3  }
0x109: {  	v7 =	vmul.f32 v7, v5;
	_ =	sdelay $0x1  }
0x10a: {  	v6 =	vadd.f32 v7, v6;
	v7 =	vmul.f32 v8, v4;
	_ =	sdelay $0x1  }
0x10b: {  	v6 =	vadd.f32 v7, v6;
	_ =	sdelay $0x1  }
0x10c: {  	[tilespmem:s3+$0x90D0] =	vst v6  }
0x10d: {  	v6 =	vld [tilespmem:s30+$0x30E0]  }
0x10e: {  	v7 =	vld [tilespmem:s31+$0x30E0]  }
0x10f: {  	v8 =	vld [tilespmem:s0+$0x30E0];
	_ =	sdelay $0x2  }
0x110: {  	v6 =	vmul.f32 v6, v3  }
0x111: {  	v7 =	vmul.f32 v7, v5;
	_ =	sdelay $0x1  }
0x112: {  	v6 =	vadd.f32 v7, v6;
	v7 =	vmul.f32 v8, v4;
	_ =	sdelay $0x1  }
0x113: {  	v6 =	vadd.f32 v7, v6;
	_ =	sdelay $0x1  }
0x114: {  	[tilespmem:s3+$0x90E0] =	vst v6  }
0x115: {  	v6 =	vld [tilespmem:s30+$0x30F0]  }
0x116: {  	v7 =	vld [tilespmem:s31+$0x30F0]  }
0x117: {  	v8 =	vld [tilespmem:s0+$0x30F0];
	_ =	sdelay $0x2  }
0x118: {  	v6 =	vmul.f32 v6, v3  }
0x119: {  	v7 =	vmul.f32 v7, v5;
	_ =	sdelay $0x1  }
0x11a: {  	v6 =	vadd.f32 v7, v6;
	v7 =	vmul.f32 v8, v4;
	_ =	sdelay $0x1  }
0x11b: {  	v6 =	vadd.f32 v7, v6;
	_ =	sdelay $0x1  }
0x11c: {  	[tilespmem:s3+$0x90F0] =	vst v6  }
0x11d: {  	v6 =	vld [tilespmem:s30+$0x3480]  }
0x11e: {  	v7 =	vld [tilespmem:s31+$0x3480]  }
0x11f: {  	v8 =	vld [tilespmem:s0+$0x3480];
	_ =	sdelay $0x2  }
0x120: {  	v6 =	vmul.f32 v6, v3  }
0x121: {  	v7 =	vmul.f32 v7, v5;
	_ =	sdelay $0x1  }
0x122: {  	v6 =	vadd.f32 v7, v6;
	v7 =	vmul.f32 v8, v4;
	_ =	sdelay $0x1  }
0x123: {  	v6 =	vadd.f32 v7, v6;
	_ =	sdelay $0x1  }
0x124: {  	[tilespmem:s3+$0x9480] =	vst v6  }
0x125: {  	v6 =	vld [tilespmem:s30+$0x3490]  }
0x126: {  	v7 =	vld [tilespmem:s31+$0x3490]  }
0x127: {  	v8 =	vld [tilespmem:s0+$0x3490];
	_ =	sdelay $0x2  }
0x128: {  	v6 =	vmul.f32 v6, v3  }
0x129: {  	v7 =	vmul.f32 v7, v5;
	_ =	sdelay $0x1  }
0x12a: {  	v6 =	vadd.f32 v7, v6;
	v7 =	vmul.f32 v8, v4;
	_ =	sdelay $0x1  }
0x12b: {  	v6 =	vadd.f32 v7, v6;
	_ =	sdelay $0x1  }
0x12c: {  	[tilespmem:s3+$0x9490] =	vst v6  }
0x12d: {  	v6 =	vld [tilespmem:s30+$0x34A0]  }
0x12e: {  	v7 =	vld [tilespmem:s31+$0x34A0]  }
0x12f: {  	v8 =	vld [tilespmem:s0+$0x34A0];
	_ =	sdelay $0x2  }
0x130: {  	v6 =	vmul.f32 v6, v3  }
0x131: {  	v7 =	vmul.f32 v7, v5;
	_ =	sdelay $0x1  }
0x132: {  	v6 =	vadd.f32 v7, v6;
	v7 =	vmul.f32 v8, v4;
	_ =	sdelay $0x1  }
0x133: {  	v6 =	vadd.f32 v7, v6;
	_ =	sdelay $0x1  }
0x134: {  	[tilespmem:s3+$0x94A0] =	vst v6  }
0x135: {  	v6 =	vld [tilespmem:s30+$0x34B0]  }
0x136: {  	v7 =	vld [tilespmem:s31+$0x34B0]  }
0x137: {  	v8 =	vld [tilespmem:s0+$0x34B0];
	_ =	sdelay $0x2  }
0x138: {  	v6 =	vmul.f32 v6, v3  }
0x139: {  	v7 =	vmul.f32 v7, v5;
	_ =	sdelay $0x1  }
0x13a: {  	v6 =	vadd.f32 v7, v6;
	v7 =	vmul.f32 v8, v4;
	_ =	sdelay $0x1  }
0x13b: {  	v6 =	vadd.f32 v7, v6;
	_ =	sdelay $0x1  }
0x13c: {  	[tilespmem:s3+$0x94B0] =	vst v6  }
.Ltmp0:
0x13d: {  	v7 =	vld [tilespmem:s30+$0x34C0];
	(pc) =	sbr.rel @p0 .LBB2_3-.Ltmp0, $3  }
0x13e: {  	v8 =	vld [tilespmem:s31+$0x34C0]  }
0x13f: {  	v6 =	vld [tilespmem:s0+$0x34C0];
	_ =	sdelay $0x1  }
0x140: {  	s25 =	sadd.s32 $0x180, s25  }
0x141: {  	_ = 	snop  }
0x142: {  	v7 =	vmul.f32 v7, v3;
	v8 =	vmul.f32 v8, v5;
	_ =	sdelay $0x1  }
0x143: {  	v6 =	vmul.f32 v6, v4;
	v7 =	vadd.f32 v8, v7;
	_ =	sdelay $0x1  }
0x144: {  	v6 =	vadd.f32 v6, v7;
	_ =	sdelay $0x1  }
0x145: {  	[tilespmem:s3+$0x94C0] =	vst v6  }
0x146: {  	v6 =	vld [tilespmem:s30+$0x34D0]  }
0x147: {  	v54 =	vld [tilespmem:s31+$0x34D0];
	_ =	sdelay $0x1  }
0x148: {  	v55 =	vld [tilespmem:s0+$0x34D0];
	_ =	sdelay $0x2  }
0x149: {  	v6 =	vmul.f32 v6, v3;
	v7 =	vmul.f32 v54, v5;
	_ =	sdelay $0x1  }
0x14a: {  	v56 =	vmul.f32 v55, v4;
	v6 =	vadd.f32 v7, v6;
	_ =	sdelay $0x1  }
0x14b: {  	v6 =	vadd.f32 v56, v6;
	_ =	sdelay $0x1  }
0x14c: {  	[tilespmem:s3+$0x94D0] =	vst v6  }
0x14d: {  	v6 =	vld [tilespmem:s30+$0x34E0]  }
0x14e: {  	v57 =	vld [tilespmem:s31+$0x34E0];
	_ =	sdelay $0x1  }
0x14f: {  	v58 =	vld [tilespmem:s0+$0x34E0];
	_ =	sdelay $0x2  }
0x150: {  	v6 =	vmul.f32 v6, v3;
	v7 =	vmul.f32 v57, v5;
	_ =	sdelay $0x1  }
0x151: {  	v59 =	vmul.f32 v58, v4;
	v6 =	vadd.f32 v7, v6;
	_ =	sdelay $0x1  }
0x152: {  	v6 =	vadd.f32 v59, v6;
	_ =	sdelay $0x1  }
0x153: {  	[tilespmem:s3+$0x94E0] =	vst v6  }
0x154: {  	v6 =	vld [tilespmem:s30+$0x34F0]  }
0x155: {  	v60 =	vld [tilespmem:s31+$0x34F0];
	_ =	sdelay $0x1  }
0x156: {  	v61 =	vld [tilespmem:s0+$0x34F0];
	_ =	sdelay $0x2  }
0x157: {  	v3 =	vmul.f32 v6, v3;
	v62 =	vmul.f32 v60, v5;
	_ =	sdelay $0x1  }
0x158: {  	v63 =	vmul.f32 v61, v4;
	v3 =	vadd.f32 v62, v3;
	_ =	sdelay $0x1  }
0x159: {  	s26 =	sadd.s32 $0x1, s26;
	v3 =	vadd.f32 v63, v3  }
0x15a: {  	p0 =	sne.s32 s26, $0x40;
	s31 =	sshll.u32 s28, $0x5  }
.Ltmp1:
0x15b: {  	s2 =	simm.s32 $0x0;
	s0 =	sadd.s32 s6, s31;
	[tilespmem:s3+$0x94F0] =	vst v3;
	(pc) =	sbr.rel @p0 .LBB2_2-.Ltmp1, $4  }
0x15c: {  	[hbm4b:s0+s2] =	stream.linear.scatter [tilespmem:s24], [sflag:$0x2], $0x2000, $0x38;
	[tilespmem:$0xB080] =	vst v63  }
0x15d: {  	_ =	swait.ge [sflag:s9], $0x2000  }
0x15e: {  	[sflag:s9] =	ssyncset.done $0x0  }
0x15f: {  	[sflag:s9] =	ssyncadd.s32 $0xFFFFE000  }
0x160: {  	s2 =	rddreg [dreg:$0x4]  }
0x161: {  	s0 =	rddreg [dreg:$0x3];
	s2 =	sadd.s32 $0x1, s2  }
0x162: {  	p0 =	sne.s32 s2, s0  }
.Ltmp2:
0x163: {  	_ = 	snop;
	(pc) =	sbr.rel @p0 .LBB2_1-.Ltmp2, $1  }
0x164: {  	_ =	sdelay $0x3  }
0x165: {  	_ =	sfence.sel $0x180000  }
0x166: {  	[bflag:$0x0] =	sbarrier.arrive $0xFFFF  }
0x167: {  	_ =	strace $0x90000047  }
0x168: {  	s0 =	stileid.u32;
	[bflag:$0x2] =	sbarrier.arrive $0xFFFF  }
0x169: {  	p0 =	sne.s32 s0, $0x0;
	s0 =	rddreg [dreg:$0x2]  }
0x16a: {  	s0 =	sadd.s32 @!p0 $0x100000, s0  }
0x16b: {  	[sflag:s0] =	ssyncadd.tile.s32 @!p0 $0x1;
	_ =	shalt  }
.Lfunc_end2:
_tile_overlayer_lowered:
.L_overlay_start_2:
0x16c: {  	(tag) =	ssettag $0x2  }
0x16d: {  	s0 =	rddreg [dreg:$0x0];
	s2 =	stileid.u32  }
0x16e: {  	s1 =	rddreg [dreg:$0x1];
	p0 =	sne.s32 s2, $0x0  }
0x16f: {  	s3 =	rddreg [dreg:$0x2];
	[bflag:$0x3] =	sbarrier.arrive $0xFFFF;
	s2 =	simm.s32 @!p0 $0x1C02  }
0x170: {  	[timem:s3], [sflag:s2] =	dma.local @!p0 [hbm:s0], s1  }
0x171: {  	s0 =	simm.s32 @!p0 $0x2  }
0x172: {  	_ =	swait.ge @!p0 [sflag:s0], s1  }
0x173: {  	s1 =	ssub.s32 @!p0 $0x0, s1;
	[sflag:s0] =	ssyncset.done @!p0 $0x0  }
0x174: {  	[sflag:s0] =	ssyncadd.s32 @!p0 s1  }
0x175: {  	[bflag:$0x3] =	sbarrier.arrive $0xFFFF  }
0x176: {  	_ =	shalt  }

</sc_bundles>
